<compile_context>
chip_gen: v7x
topology: tpu7x:2x2x1
jax: 0.10.2.dev20260603
libtpu: 0.0.44.dev20260713+nightly
codegen_flags: <defaults>
</compile_context>

<pallas_src>
import functools
import math

import jax
import jax.numpy as jnp
from jax import lax
from jax.experimental import pallas as pl
from jax.experimental.pallas import tpu as pltpu
from jax.experimental.pallas import tpu_sc as plsc

_UNITS = 100000
_NEG = 1024
_DIM = 64
_BATCH = 16384
_WIDE = 128

_NC = 2
_NS = 16
_NW = _NC * _NS
_BPW = _BATCH // _NW
_SPW = _NEG // _NW
_CHUNK = 128
_NCHUNK = _BPW // _CHUNK

_LOG_RANGE = math.log(float(_UNITS) + 1.0)


_VB = 16384
_NVB = -(-_UNITS // _VB)


def _repack_body(wt_ref, out_ref):
  out_ref[:, :_DIM] = wt_ref[...].T


@functools.cache
def _repack_call():
  return pl.pallas_call(
      _repack_body,
      grid=(_NVB,),
      in_specs=[pl.BlockSpec((_DIM, _VB), lambda i: (0, i))],
      out_specs=pl.BlockSpec((_VB, _WIDE), lambda i: (i, 0)),
      out_shape=jax.ShapeDtypeStruct((_UNITS, _WIDE), jnp.float32),
  )




@functools.cache
def _gather_kernel():
  mesh = plsc.VectorSubcoreMesh(core_axis_name="c", subcore_axis_name="s")

  @functools.partial(
      pl.kernel,
      mesh=mesh,
      out_type=(
          jax.ShapeDtypeStruct((_BATCH, _WIDE), jnp.float32),
          jax.ShapeDtypeStruct((_BATCH,), jnp.float32),
          jax.ShapeDtypeStruct((_NEG, _WIDE), jnp.float32),
          jax.ShapeDtypeStruct((_NEG,), jnp.float32),
      ),
      scratch_types=(
          pltpu.VMEM((_NCHUNK, _CHUNK), jnp.int32),
          pltpu.VMEM((_BPW, _WIDE), jnp.float32),
          pltpu.VMEM((_BPW,), jnp.float32),
          pltpu.VMEM((_SPW,), jnp.int32),
          pltpu.VMEM((_SPW, _WIDE), jnp.float32),
          pltpu.VMEM((_SPW,), jnp.float32),
          pltpu.SemaphoreType.DMA,
      ),
  )
  def gather(table_hbm, bias_hbm, tgt_hbm, smp_hbm,
             tw_out, tb_out, sw_out, sb_out,
             idx_v, rows_v, bvals_v, sidx_v, srows_v, sbvals_v, sem):
    wid = lax.axis_index("s") * _NC + lax.axis_index("c")
    base = wid * _BPW
    sbase = wid * _SPW
    pltpu.sync_copy(tgt_hbm.at[wid], idx_v)
    pltpu.sync_copy(smp_hbm.at[wid], sidx_v)
    copies = []
    for j in range(_NCHUNK):
      copies.append(pltpu.async_copy(
          table_hbm.at[idx_v.at[j]], rows_v.at[pl.ds(j * _CHUNK, _CHUNK)],
          sem))
      copies.append(pltpu.async_copy(
          bias_hbm.at[idx_v.at[j]], bvals_v.at[pl.ds(j * _CHUNK, _CHUNK)],
          sem))
    copies.append(pltpu.async_copy(table_hbm.at[sidx_v], srows_v, sem))
    copies.append(pltpu.async_copy(bias_hbm.at[sidx_v], sbvals_v, sem))
    for cp in copies:
      cp.wait()
    pltpu.sync_copy(rows_v, tw_out.at[pl.ds(base, _BPW)])
    pltpu.sync_copy(bvals_v, tb_out.at[pl.ds(base, _BPW)])
    pltpu.sync_copy(srows_v, sw_out.at[pl.ds(sbase, _SPW)])
    pltpu.sync_copy(sbvals_v, sb_out.at[pl.ds(sbase, _SPW)])

  return gather



_BB = 4096
_NB = _BATCH // _BB


def _loss_body(lt_ref, tw_ref, tb_ref, tgt_ref, sw_ref, sb_ref, smp_ref,
               out_ref):
  i = pl.program_id(0)
  logits = lt_ref[...].T
  tw = tw_ref[:, :_DIM]
  tb = tb_ref[...]
  tgt = tgt_ref[...]
  sw = sw_ref[:, :_DIM]
  sb = sb_ref[...]
  smp = smp_ref[...]

  nf = jnp.float32(_NEG)

  tf_ = tgt.astype(jnp.float32)
  p_t = jnp.log((tf_ + 2.0) / (tf_ + 1.0)) / _LOG_RANGE
  log_true_ec = jnp.log(1.0 - jnp.exp(nf * jnp.log(1.0 - p_t)))

  sf_ = smp.astype(jnp.float32)
  p_s = jnp.log((sf_ + 2.0) / (sf_ + 1.0)) / _LOG_RANGE
  log_samp_ec = jnp.log(1.0 - jnp.exp(nf * jnp.log(1.0 - p_s)))

  true_logits = (jnp.sum(logits * tw, axis=1, keepdims=True)
                 + tb - log_true_ec)

  samp = lax.dot_general(logits.astype(jnp.bfloat16),
                         sw.astype(jnp.bfloat16),
                         (((1,), (1,)), ((), ())),
                         preferred_element_type=jnp.float32)
  samp = samp + sb - log_samp_ec
  samp = jnp.where(smp == tgt, samp - 1e9, samp)

  s = jnp.sum(jnp.exp(samp), axis=1, keepdims=True)
  per_ex = jnp.log(s + jnp.exp(true_logits)) - true_logits
  blk_sum = jnp.sum(per_ex)

  @pl.when(i == 0)
  def _():
    out_ref[...] = jnp.zeros_like(out_ref)

  out_ref[...] += jnp.reshape(blk_sum, (1, 1))


@functools.cache
def _loss_call():
  return pl.pallas_call(
      _loss_body,
      grid=(_NB,),
      in_specs=[
          pl.BlockSpec((_DIM, _BB), lambda i: (0, i)),
          pl.BlockSpec((_BB, _WIDE), lambda i: (i, 0)),
          pl.BlockSpec((_BB, 1), lambda i: (i, 0)),
          pl.BlockSpec((_BB, 1), lambda i: (i, 0)),
          pl.BlockSpec((_NEG, _WIDE), lambda i: (0, 0)),
          pl.BlockSpec((1, _NEG), lambda i: (0, 0)),
          pl.BlockSpec((1, _NEG), lambda i: (0, 0)),
      ],
      out_specs=pl.BlockSpec((1, 1), lambda i: (0, 0)),
      out_shape=jax.ShapeDtypeStruct((1, 1), jnp.float32),
  )


def kernel(logits, targets, kernel, bias):
  skey = jax.random.fold_in(jax.random.key(42), 7)
  u = jax.random.uniform(skey, (_NEG,), dtype=jnp.float32)
  sampled = jnp.floor(jnp.exp(u * jnp.log(float(_UNITS) + 1.0)))
  sampled = jnp.clip(sampled.astype(jnp.int32) - 1, 0, _UNITS - 1)

  table = _repack_call()(kernel.T)

  tw, tb, sw, sb = _gather_kernel()(
      table, bias,
      targets.reshape(_NW, _NCHUNK, _CHUNK),
      sampled.reshape(_NW, _SPW))

  loss_sum = _loss_call()(
      logits.T, tw,
      tb.reshape(_BATCH, 1),
      targets.reshape(_BATCH, 1),
      sw,
      sb.reshape(1, _NEG),
      sampled.reshape(1, _NEG))
  return loss_sum[0, 0] / jnp.float32(_BATCH)

# --- scband reference (transcript-rebuilt; emitter-appended) ---
"""Pipeline reference for scband-sampled-sofmax-14903536517670 (READ-ONLY COPY).

The authoritative reference and input builder live on the scoring server;
editing this copy changes nothing except your own understanding.
"""

import jax, jax.numpy as jnp
import numpy as np

UNITS = 100000
NEG = 1024
DIM = 64
BATCH = 16384


def setup_inputs(seed: int = 0) -> dict:
    key = jax.random.key(seed)
    k1, k2, k3, k4 = jax.random.split(key, 4)
    logits = jax.random.normal(k1, (BATCH, DIM), dtype=jnp.float32)
    targets = jax.random.randint(k2, (BATCH,), 0, UNITS, dtype=jnp.int32)
    kernel = jax.random.normal(k3, (UNITS, DIM), dtype=jnp.float32) * 0.02
    bias = jax.random.normal(k4, (UNITS,), dtype=jnp.float32) * 0.02
    return {"logits": logits, "targets": targets, "kernel": kernel, "bias": bias}


def _log_uniform_sample(key, num_sampled, range_max):
    # Zipfian (log-uniform) candidate sampler, matching
    # tf.random.log_uniform_candidate_sampler's base distribution.
    u = jax.random.uniform(key, (num_sampled,), dtype=jnp.float32)
    ids = jnp.floor(jnp.exp(u * jnp.log(float(range_max) + 1.0))).astype(jnp.int32) - 1
    return jnp.clip(ids, 0, range_max - 1)


def _expected_count(ids, num_sampled, range_max):
    idsf = ids.astype(jnp.float32)
    p = jnp.log((idsf + 2.0) / (idsf + 1.0)) / jnp.log(float(range_max) + 1.0)
    # expected count under sampling-without-replacement approximation (unique=True)
    return -jnp.expm1(float(num_sampled) * jnp.log1p(-p))


def reference(logits, targets, kernel, bias):
    # Faithful translation of tf.nn.sampled_softmax_loss followed by
    # compute_weighted_loss(reduction=SUM_OVER_BATCH_SIZE), which is what
    # SampledSofmax.call computes (and registers via add_loss) when
    # return_probs=False and training=True.
    skey = jax.random.fold_in(jax.random.key(42), 7)
    sampled = _log_uniform_sample(skey, NEG, UNITS)
    true_ec = _expected_count(targets, NEG, UNITS)
    samp_ec = _expected_count(sampled, NEG, UNITS)

    true_w = jnp.take(kernel, targets, axis=0)          # [B, D] gather
    true_b = jnp.take(bias, targets, axis=0)            # [B] gather
    samp_w = jnp.take(kernel, sampled, axis=0)          # [NEG, D] gather
    samp_b = jnp.take(bias, sampled, axis=0)            # [NEG] gather

    true_logits = jnp.sum(logits * true_w, axis=1) + true_b - jnp.log(true_ec)
    samp_logits = logits @ samp_w.T + samp_b[None, :] - jnp.log(samp_ec)[None, :]

    # remove_accidental_hits=True (tf default): mask sampled ids equal to label
    hits = sampled[None, :] == targets[:, None]
    samp_logits = jnp.where(hits, samp_logits - 1e9, samp_logits)

    out_logits = jnp.concatenate([true_logits[:, None], samp_logits], axis=1)
    per_example = jax.nn.logsumexp(out_logits, axis=1) - out_logits[:, 0]
    return jnp.mean(per_example)

if __name__ == "__main__":
    import jax
    _d = setup_inputs()
    print(jax.jit(kernel)(*tuple(_d.values())))

</pallas_src>

<mosaic_0001>
#map = affine_map<(d0, d1) -> (0, 0)>
#map1 = affine_map<(d0, d1) -> (0)>
#map2 = affine_map<(d0, d1) -> (0, 0, 0)>
module attributes {stable_mosaic.version = 14 : i64} {
  func.func @gather(%arg0: i32, %arg1: i32, %arg2: memref<100000x128xf32, #tpu.memory_space<hbm>>, %arg3: memref<100000xf32, #tpu.memory_space<hbm>>, %arg4: memref<32x4x128xi32, #tpu.memory_space<hbm>>, %arg5: memref<32x32xi32, #tpu.memory_space<hbm>>, %arg6: memref<16384x128xf32, #tpu.memory_space<hbm>>, %arg7: memref<16384xf32, #tpu.memory_space<hbm>>, %arg8: memref<1024x128xf32, #tpu.memory_space<hbm>>, %arg9: memref<1024xf32, #tpu.memory_space<hbm>>, %arg10: memref<4x128xi32, #tpu.memory_space<vmem>>, %arg11: memref<512x128xf32, #tpu.memory_space<vmem>>, %arg12: memref<512xf32, #tpu.memory_space<vmem>>, %arg13: memref<32xi32, #tpu.memory_space<vmem>>, %arg14: memref<32x128xf32, #tpu.memory_space<vmem>>, %arg15: memref<32xf32, #tpu.memory_space<vmem>>, %arg16: memref<!tpu.dma_semaphore, #tpu.memory_space<semaphore_mem>>) attributes {dimension_semantics = [#tpu.dimension_semantics<core_parallel>, #tpu.dimension_semantics<subcore_parallel>], iteration_bounds = array<i64: 2, 16>, scalar_prefetch = 0 : i64, scratch_operands = 7 : i64, tpu.core_type = #tpu.core_type<sc_vector_subcore>, window_params = [{transform_indices = #map}, {transform_indices = #map1}, {transform_indices = #map2}, {transform_indices = #map}, {transform_indices = #map}, {transform_indices = #map1}, {transform_indices = #map}, {transform_indices = #map1}]} {
    %mul3A = arith.constant 2 : i32
    %mul3A_0 = arith.muli %arg1, %mul3A : i32
    %add3A = arith.addi %mul3A_0, %arg0 : i32
    %mul3A_1 = arith.constant 512 : i32
    %mul3A_2 = arith.muli %add3A, %mul3A_1 : i32
    %mul3A_3 = arith.constant 32 : i32
    %mul3A_4 = arith.muli %add3A, %mul3A_3 : i32
    "tpu.region"() ({
      %run_scoped3A = tpu.sem_alloc : memref<!tpu.dma_semaphore, #tpu.memory_space<semaphore_mem>>
      %dma_start3A_157 = arith.constant 0 : i32
      %dma_start3A_158 = arith.constant 0 : i32
      %dma_start3A_159 = tpu.memref_slice %arg4[%add3A, %dma_start3A_157, %dma_start3A_158] : memref<32x4x128xi32, #tpu.memory_space<hbm>> -> memref<1x4x128xi32, #tpu.memory_space<hbm>>
      %dma_start3A_160 = tpu.memref_squeeze %dma_start3A_159 : memref<1x4x128xi32, #tpu.memory_space<hbm>> -> memref<4x128xi32, #tpu.memory_space<hbm>>
      %dma_start3A_161 = arith.constant 0 : i32
      %dma_start3A_162 = arith.constant 0 : i32
      %dma_start3A_163 = tpu.memref_slice %arg4[%add3A, %dma_start3A_161, %dma_start3A_162] : memref<32x4x128xi32, #tpu.memory_space<hbm>> -> memref<1x4x128xi32, #tpu.memory_space<hbm>>
      %dma_start3A_164 = tpu.memref_squeeze %dma_start3A_163 : memref<1x4x128xi32, #tpu.memory_space<hbm>> -> memref<4x128xi32, #tpu.memory_space<hbm>>
      tpu.enqueue_dma source(%dma_start3A_164 : memref<4x128xi32, #tpu.memory_space<hbm>>) target(%arg10 : memref<4x128xi32, #tpu.memory_space<vmem>>) target_semaphore(%run_scoped3A : memref<!tpu.dma_semaphore, #tpu.memory_space<semaphore_mem>>)
      %dma_wait3A_165 = arith.constant 0 : i32
      %dma_wait3A_166 = arith.constant 0 : i32
      %dma_wait3A_167 = tpu.memref_slice %arg4[%add3A, %dma_wait3A_165, %dma_wait3A_166] : memref<32x4x128xi32, #tpu.memory_space<hbm>> -> memref<1x4x128xi32, #tpu.memory_space<hbm>>
      %dma_wait3A_168 = tpu.memref_squeeze %dma_wait3A_167 : memref<1x4x128xi32, #tpu.memory_space<hbm>> -> memref<4x128xi32, #tpu.memory_space<hbm>>
      %dma_wait3A_169 = arith.constant 0 : i32
      %dma_wait3A_170 = arith.constant 0 : i32
      %dma_wait3A_171 = tpu.memref_slice %arg4[%add3A, %dma_wait3A_169, %dma_wait3A_170] : memref<32x4x128xi32, #tpu.memory_space<hbm>> -> memref<1x4x128xi32, #tpu.memory_space<hbm>>
      %dma_wait3A_172 = tpu.memref_squeeze %dma_wait3A_171 : memref<1x4x128xi32, #tpu.memory_space<hbm>> -> memref<4x128xi32, #tpu.memory_space<hbm>>
      tpu.wait_dma2 semaphore(%run_scoped3A : memref<!tpu.dma_semaphore, #tpu.memory_space<semaphore_mem>>) src(%dma_wait3A_172 : memref<4x128xi32, #tpu.memory_space<hbm>>) dst(%arg10 : memref<4x128xi32, #tpu.memory_space<vmem>>)
      tpu.yield
    }) : () -> ()
    "tpu.region"() ({
      %run_scoped3A = tpu.sem_alloc : memref<!tpu.dma_semaphore, #tpu.memory_space<semaphore_mem>>
      %dma_start3A_157 = arith.constant 0 : i32
      %dma_start3A_158 = tpu.memref_slice %arg5[%add3A, %dma_start3A_157] : memref<32x32xi32, #tpu.memory_space<hbm>> -> memref<1x32xi32, #tpu.memory_space<hbm>>
      %dma_start3A_159 = tpu.memref_squeeze %dma_start3A_158 : memref<1x32xi32, #tpu.memory_space<hbm>> -> memref<32xi32, #tpu.memory_space<hbm>>
      %dma_start3A_160 = arith.constant 0 : i32
      %dma_start3A_161 = tpu.memref_slice %arg5[%add3A, %dma_start3A_160] : memref<32x32xi32, #tpu.memory_space<hbm>> -> memref<1x32xi32, #tpu.memory_space<hbm>>
      %dma_start3A_162 = tpu.memref_squeeze %dma_start3A_161 : memref<1x32xi32, #tpu.memory_space<hbm>> -> memref<32xi32, #tpu.memory_space<hbm>>
      tpu.enqueue_dma source(%dma_start3A_162 : memref<32xi32, #tpu.memory_space<hbm>>) target(%arg13 : memref<32xi32, #tpu.memory_space<vmem>>) target_semaphore(%run_scoped3A : memref<!tpu.dma_semaphore, #tpu.memory_space<semaphore_mem>>)
      %dma_wait3A_163 = arith.constant 0 : i32
      %dma_wait3A_164 = tpu.memref_slice %arg5[%add3A, %dma_wait3A_163] : memref<32x32xi32, #tpu.memory_space<hbm>> -> memref<1x32xi32, #tpu.memory_space<hbm>>
      %dma_wait3A_165 = tpu.memref_squeeze %dma_wait3A_164 : memref<1x32xi32, #tpu.memory_space<hbm>> -> memref<32xi32, #tpu.memory_space<hbm>>
      %dma_wait3A_166 = arith.constant 0 : i32
      %dma_wait3A_167 = tpu.memref_slice %arg5[%add3A, %dma_wait3A_166] : memref<32x32xi32, #tpu.memory_space<hbm>> -> memref<1x32xi32, #tpu.memory_space<hbm>>
      %dma_wait3A_168 = tpu.memref_squeeze %dma_wait3A_167 : memref<1x32xi32, #tpu.memory_space<hbm>> -> memref<32xi32, #tpu.memory_space<hbm>>
      tpu.wait_dma2 semaphore(%run_scoped3A : memref<!tpu.dma_semaphore, #tpu.memory_space<semaphore_mem>>) src(%dma_wait3A_168 : memref<32xi32, #tpu.memory_space<hbm>>) dst(%arg13 : memref<32xi32, #tpu.memory_space<vmem>>)
      tpu.yield
    }) : () -> ()
    %dma_start3A = arith.constant 0 : i32
    %dma_start3A_5 = arith.constant 0 : i32
    %dma_start3A_6 = arith.constant 0 : i32
    %dma_start3A_7 = tpu.memref_slice %arg11[%dma_start3A_5, %dma_start3A_6] : memref<512x128xf32, #tpu.memory_space<vmem>> -> memref<128x128xf32, #tpu.memory_space<vmem>>
    %dma_start3A_8 = arith.constant 0 : i32
    %dma_start3A_9 = tpu.memref_slice %arg10[%dma_start3A, %dma_start3A_8] : memref<4x128xi32, #tpu.memory_space<vmem>> -> memref<1x128xi32, #tpu.memory_space<vmem>>
    %dma_start3A_10 = tpu.memref_squeeze %dma_start3A_9 : memref<1x128xi32, #tpu.memory_space<vmem>> -> memref<128xi32, #tpu.memory_space<vmem>>
    %dma_start3A_11 = arith.constant 0 : i32
    %dma_start3A_12 = arith.constant 0 : i32
    %dma_start3A_13 = tpu.memref_slice %arg2[%dma_start3A_11, %dma_start3A_12] : memref<100000x128xf32, #tpu.memory_space<hbm>> -> memref<100000x128xf32, #tpu.memory_space<hbm>>
    tpu.enqueue_indirect_dma source(%dma_start3A_13 : memref<100000x128xf32, #tpu.memory_space<hbm>>) target(%dma_start3A_7 : memref<128x128xf32, #tpu.memory_space<vmem>>) offsets(%dma_start3A_10 : memref<128xi32, #tpu.memory_space<vmem>>) semaphore(%arg16 : memref<!tpu.dma_semaphore, #tpu.memory_space<semaphore_mem>>)
    %dma_start3A_14 = arith.constant 0 : i32
    %dma_start3A_15 = arith.constant 0 : i32
    %dma_start3A_16 = tpu.memref_slice %arg12[%dma_start3A_15] : memref<512xf32, #tpu.memory_space<vmem>> -> memref<128xf32, #tpu.memory_space<vmem>>
    %dma_start3A_17 = arith.constant 0 : i32
    %dma_start3A_18 = tpu.memref_slice %arg10[%dma_start3A_14, %dma_start3A_17] : memref<4x128xi32, #tpu.memory_space<vmem>> -> memref<1x128xi32, #tpu.memory_space<vmem>>
    %dma_start3A_19 = tpu.memref_squeeze %dma_start3A_18 : memref<1x128xi32, #tpu.memory_space<vmem>> -> memref<128xi32, #tpu.memory_space<vmem>>
    %dma_start3A_20 = arith.constant 0 : i32
    %dma_start3A_21 = tpu.memref_slice %arg3[%dma_start3A_20] : memref<100000xf32, #tpu.memory_space<hbm>> -> memref<100000xf32, #tpu.memory_space<hbm>>
    tpu.enqueue_indirect_dma source(%dma_start3A_21 : memref<100000xf32, #tpu.memory_space<hbm>>) target(%dma_start3A_16 : memref<128xf32, #tpu.memory_space<vmem>>) offsets(%dma_start3A_19 : memref<128xi32, #tpu.memory_space<vmem>>) semaphore(%arg16 : memref<!tpu.dma_semaphore, #tpu.memory_space<semaphore_mem>>)
    %dma_start3A_22 = arith.constant 1 : i32
    %dma_start3A_23 = arith.constant 128 : i32
    %dma_start3A_24 = arith.constant 0 : i32
    %dma_start3A_25 = tpu.memref_slice %arg11[%dma_start3A_23, %dma_start3A_24] : memref<512x128xf32, #tpu.memory_space<vmem>> -> memref<128x128xf32, #tpu.memory_space<vmem>>
    %dma_start3A_26 = arith.constant 0 : i32
    %dma_start3A_27 = tpu.memref_slice %arg10[%dma_start3A_22, %dma_start3A_26] : memref<4x128xi32, #tpu.memory_space<vmem>> -> memref<1x128xi32, #tpu.memory_space<vmem>>
    %dma_start3A_28 = tpu.memref_squeeze %dma_start3A_27 : memref<1x128xi32, #tpu.memory_space<vmem>> -> memref<128xi32, #tpu.memory_space<vmem>>
    %dma_start3A_29 = arith.constant 0 : i32
    %dma_start3A_30 = arith.constant 0 : i32
    %dma_start3A_31 = tpu.memref_slice %arg2[%dma_start3A_29, %dma_start3A_30] : memref<100000x128xf32, #tpu.memory_space<hbm>> -> memref<100000x128xf32, #tpu.memory_space<hbm>>
    tpu.enqueue_indirect_dma source(%dma_start3A_31 : memref<100000x128xf32, #tpu.memory_space<hbm>>) target(%dma_start3A_25 : memref<128x128xf32, #tpu.memory_space<vmem>>) offsets(%dma_start3A_28 : memref<128xi32, #tpu.memory_space<vmem>>) semaphore(%arg16 : memref<!tpu.dma_semaphore, #tpu.memory_space<semaphore_mem>>)
    %dma_start3A_32 = arith.constant 1 : i32
    %dma_start3A_33 = arith.constant 128 : i32
    %dma_start3A_34 = tpu.memref_slice %arg12[%dma_start3A_33] : memref<512xf32, #tpu.memory_space<vmem>> -> memref<128xf32, #tpu.memory_space<vmem>>
    %dma_start3A_35 = arith.constant 0 : i32
    %dma_start3A_36 = tpu.memref_slice %arg10[%dma_start3A_32, %dma_start3A_35] : memref<4x128xi32, #tpu.memory_space<vmem>> -> memref<1x128xi32, #tpu.memory_space<vmem>>
    %dma_start3A_37 = tpu.memref_squeeze %dma_start3A_36 : memref<1x128xi32, #tpu.memory_space<vmem>> -> memref<128xi32, #tpu.memory_space<vmem>>
    %dma_start3A_38 = arith.constant 0 : i32
    %dma_start3A_39 = tpu.memref_slice %arg3[%dma_start3A_38] : memref<100000xf32, #tpu.memory_space<hbm>> -> memref<100000xf32, #tpu.memory_space<hbm>>
    tpu.enqueue_indirect_dma source(%dma_start3A_39 : memref<100000xf32, #tpu.memory_space<hbm>>) target(%dma_start3A_34 : memref<128xf32, #tpu.memory_space<vmem>>) offsets(%dma_start3A_37 : memref<128xi32, #tpu.memory_space<vmem>>) semaphore(%arg16 : memref<!tpu.dma_semaphore, #tpu.memory_space<semaphore_mem>>)
    %dma_start3A_40 = arith.constant 2 : i32
    %dma_start3A_41 = arith.constant 256 : i32
    %dma_start3A_42 = arith.constant 0 : i32
    %dma_start3A_43 = tpu.memref_slice %arg11[%dma_start3A_41, %dma_start3A_42] : memref<512x128xf32, #tpu.memory_space<vmem>> -> memref<128x128xf32, #tpu.memory_space<vmem>>
    %dma_start3A_44 = arith.constant 0 : i32
    %dma_start3A_45 = tpu.memref_slice %arg10[%dma_start3A_40, %dma_start3A_44] : memref<4x128xi32, #tpu.memory_space<vmem>> -> memref<1x128xi32, #tpu.memory_space<vmem>>
    %dma_start3A_46 = tpu.memref_squeeze %dma_start3A_45 : memref<1x128xi32, #tpu.memory_space<vmem>> -> memref<128xi32, #tpu.memory_space<vmem>>
    %dma_start3A_47 = arith.constant 0 : i32
    %dma_start3A_48 = arith.constant 0 : i32
    %dma_start3A_49 = tpu.memref_slice %arg2[%dma_start3A_47, %dma_start3A_48] : memref<100000x128xf32, #tpu.memory_space<hbm>> -> memref<100000x128xf32, #tpu.memory_space<hbm>>
    tpu.enqueue_indirect_dma source(%dma_start3A_49 : memref<100000x128xf32, #tpu.memory_space<hbm>>) target(%dma_start3A_43 : memref<128x128xf32, #tpu.memory_space<vmem>>) offsets(%dma_start3A_46 : memref<128xi32, #tpu.memory_space<vmem>>) semaphore(%arg16 : memref<!tpu.dma_semaphore, #tpu.memory_space<semaphore_mem>>)
    %dma_start3A_50 = arith.constant 2 : i32
    %dma_start3A_51 = arith.constant 256 : i32
    %dma_start3A_52 = tpu.memref_slice %arg12[%dma_start3A_51] : memref<512xf32, #tpu.memory_space<vmem>> -> memref<128xf32, #tpu.memory_space<vmem>>
    %dma_start3A_53 = arith.constant 0 : i32
    %dma_start3A_54 = tpu.memref_slice %arg10[%dma_start3A_50, %dma_start3A_53] : memref<4x128xi32, #tpu.memory_space<vmem>> -> memref<1x128xi32, #tpu.memory_space<vmem>>
    %dma_start3A_55 = tpu.memref_squeeze %dma_start3A_54 : memref<1x128xi32, #tpu.memory_space<vmem>> -> memref<128xi32, #tpu.memory_space<vmem>>
    %dma_start3A_56 = arith.constant 0 : i32
    %dma_start3A_57 = tpu.memref_slice %arg3[%dma_start3A_56] : memref<100000xf32, #tpu.memory_space<hbm>> -> memref<100000xf32, #tpu.memory_space<hbm>>
    tpu.enqueue_indirect_dma source(%dma_start3A_57 : memref<100000xf32, #tpu.memory_space<hbm>>) target(%dma_start3A_52 : memref<128xf32, #tpu.memory_space<vmem>>) offsets(%dma_start3A_55 : memref<128xi32, #tpu.memory_space<vmem>>) semaphore(%arg16 : memref<!tpu.dma_semaphore, #tpu.memory_space<semaphore_mem>>)
    %dma_start3A_58 = arith.constant 3 : i32
    %dma_start3A_59 = arith.constant 384 : i32
    %dma_start3A_60 = arith.constant 0 : i32
    %dma_start3A_61 = tpu.memref_slice %arg11[%dma_start3A_59, %dma_start3A_60] : memref<512x128xf32, #tpu.memory_space<vmem>> -> memref<128x128xf32, #tpu.memory_space<vmem>>
    %dma_start3A_62 = arith.constant 0 : i32
    %dma_start3A_63 = tpu.memref_slice %arg10[%dma_start3A_58, %dma_start3A_62] : memref<4x128xi32, #tpu.memory_space<vmem>> -> memref<1x128xi32, #tpu.memory_space<vmem>>
    %dma_start3A_64 = tpu.memref_squeeze %dma_start3A_63 : memref<1x128xi32, #tpu.memory_space<vmem>> -> memref<128xi32, #tpu.memory_space<vmem>>
    %dma_start3A_65 = arith.constant 0 : i32
    %dma_start3A_66 = arith.constant 0 : i32
    %dma_start3A_67 = tpu.memref_slice %arg2[%dma_start3A_65, %dma_start3A_66] : memref<100000x128xf32, #tpu.memory_space<hbm>> -> memref<100000x128xf32, #tpu.memory_space<hbm>>
    tpu.enqueue_indirect_dma source(%dma_start3A_67 : memref<100000x128xf32, #tpu.memory_space<hbm>>) target(%dma_start3A_61 : memref<128x128xf32, #tpu.memory_space<vmem>>) offsets(%dma_start3A_64 : memref<128xi32, #tpu.memory_space<vmem>>) semaphore(%arg16 : memref<!tpu.dma_semaphore, #tpu.memory_space<semaphore_mem>>)
    %dma_start3A_68 = arith.constant 3 : i32
    %dma_start3A_69 = arith.constant 384 : i32
    %dma_start3A_70 = tpu.memref_slice %arg12[%dma_start3A_69] : memref<512xf32, #tpu.memory_space<vmem>> -> memref<128xf32, #tpu.memory_space<vmem>>
    %dma_start3A_71 = arith.constant 0 : i32
    %dma_start3A_72 = tpu.memref_slice %arg10[%dma_start3A_68, %dma_start3A_71] : memref<4x128xi32, #tpu.memory_space<vmem>> -> memref<1x128xi32, #tpu.memory_space<vmem>>
    %dma_start3A_73 = tpu.memref_squeeze %dma_start3A_72 : memref<1x128xi32, #tpu.memory_space<vmem>> -> memref<128xi32, #tpu.memory_space<vmem>>
    %dma_start3A_74 = arith.constant 0 : i32
    %dma_start3A_75 = tpu.memref_slice %arg3[%dma_start3A_74] : memref<100000xf32, #tpu.memory_space<hbm>> -> memref<100000xf32, #tpu.memory_space<hbm>>
    tpu.enqueue_indirect_dma source(%dma_start3A_75 : memref<100000xf32, #tpu.memory_space<hbm>>) target(%dma_start3A_70 : memref<128xf32, #tpu.memory_space<vmem>>) offsets(%dma_start3A_73 : memref<128xi32, #tpu.memory_space<vmem>>) semaphore(%arg16 : memref<!tpu.dma_semaphore, #tpu.memory_space<semaphore_mem>>)
    %dma_start3A_76 = arith.constant 0 : i32
    %dma_start3A_77 = arith.constant 0 : i32
    %dma_start3A_78 = tpu.memref_slice %arg2[%dma_start3A_76, %dma_start3A_77] : memref<100000x128xf32, #tpu.memory_space<hbm>> -> memref<100000x128xf32, #tpu.memory_space<hbm>>
    tpu.enqueue_indirect_dma source(%dma_start3A_78 : memref<100000x128xf32, #tpu.memory_space<hbm>>) target(%arg14 : memref<32x128xf32, #tpu.memory_space<vmem>>) offsets(%arg13 : memref<32xi32, #tpu.memory_space<vmem>>) semaphore(%arg16 : memref<!tpu.dma_semaphore, #tpu.memory_space<semaphore_mem>>)
    %dma_start3A_79 = arith.constant 0 : i32
    %dma_start3A_80 = tpu.memref_slice %arg3[%dma_start3A_79] : memref<100000xf32, #tpu.memory_space<hbm>> -> memref<100000xf32, #tpu.memory_space<hbm>>
    tpu.enqueue_indirect_dma source(%dma_start3A_80 : memref<100000xf32, #tpu.memory_space<hbm>>) target(%arg15 : memref<32xf32, #tpu.memory_space<vmem>>) offsets(%arg13 : memref<32xi32, #tpu.memory_space<vmem>>) semaphore(%arg16 : memref<!tpu.dma_semaphore, #tpu.memory_space<semaphore_mem>>)
    %dma_wait3A = arith.constant 0 : i32
    %dma_wait3A_81 = arith.constant 0 : i32
    %dma_wait3A_82 = arith.constant 0 : i32
    %dma_wait3A_83 = tpu.memref_slice %arg11[%dma_wait3A_81, %dma_wait3A_82] : memref<512x128xf32, #tpu.memory_space<vmem>> -> memref<128x128xf32, #tpu.memory_space<vmem>>
    %dma_wait3A_84 = arith.constant 0 : i32
    %dma_wait3A_85 = tpu.memref_slice %arg10[%dma_wait3A, %dma_wait3A_84] : memref<4x128xi32, #tpu.memory_space<vmem>> -> memref<1x128xi32, #tpu.memory_space<vmem>>
    %dma_wait3A_86 = tpu.memref_squeeze %dma_wait3A_85 : memref<1x128xi32, #tpu.memory_space<vmem>> -> memref<128xi32, #tpu.memory_space<vmem>>
    %dma_wait3A_87 = arith.constant 0 : i32
    %dma_wait3A_88 = arith.constant 0 : i32
    %dma_wait3A_89 = tpu.memref_slice %arg2[%dma_wait3A_87, %dma_wait3A_88] : memref<100000x128xf32, #tpu.memory_space<hbm>> -> memref<100000x128xf32, #tpu.memory_space<hbm>>
    tpu.wait_indirect_dma semaphore(%arg16 : memref<!tpu.dma_semaphore, #tpu.memory_space<semaphore_mem>>) src(%dma_wait3A_89 : memref<100000x128xf32, #tpu.memory_space<hbm>>) dst(%dma_wait3A_83 : memref<128x128xf32, #tpu.memory_space<vmem>>)
    %dma_wait3A_90 = arith.constant 0 : i32
    %dma_wait3A_91 = arith.constant 0 : i32
    %dma_wait3A_92 = tpu.memref_slice %arg12[%dma_wait3A_91] : memref<512xf32, #tpu.memory_space<vmem>> -> memref<128xf32, #tpu.memory_space<vmem>>
    %dma_wait3A_93 = arith.constant 0 : i32
    %dma_wait3A_94 = tpu.memref_slice %arg10[%dma_wait3A_90, %dma_wait3A_93] : memref<4x128xi32, #tpu.memory_space<vmem>> -> memref<1x128xi32, #tpu.memory_space<vmem>>
    %dma_wait3A_95 = tpu.memref_squeeze %dma_wait3A_94 : memref<1x128xi32, #tpu.memory_space<vmem>> -> memref<128xi32, #tpu.memory_space<vmem>>
    %dma_wait3A_96 = arith.constant 0 : i32
    %dma_wait3A_97 = tpu.memref_slice %arg3[%dma_wait3A_96] : memref<100000xf32, #tpu.memory_space<hbm>> -> memref<100000xf32, #tpu.memory_space<hbm>>
    tpu.wait_indirect_dma semaphore(%arg16 : memref<!tpu.dma_semaphore, #tpu.memory_space<semaphore_mem>>) src(%dma_wait3A_97 : memref<100000xf32, #tpu.memory_space<hbm>>) dst(%dma_wait3A_92 : memref<128xf32, #tpu.memory_space<vmem>>)
    %dma_wait3A_98 = arith.constant 1 : i32
    %dma_wait3A_99 = arith.constant 128 : i32
    %dma_wait3A_100 = arith.constant 0 : i32
    %dma_wait3A_101 = tpu.memref_slice %arg11[%dma_wait3A_99, %dma_wait3A_100] : memref<512x128xf32, #tpu.memory_space<vmem>> -> memref<128x128xf32, #tpu.memory_space<vmem>>
    %dma_wait3A_102 = arith.constant 0 : i32
    %dma_wait3A_103 = tpu.memref_slice %arg10[%dma_wait3A_98, %dma_wait3A_102] : memref<4x128xi32, #tpu.memory_space<vmem>> -> memref<1x128xi32, #tpu.memory_space<vmem>>
    %dma_wait3A_104 = tpu.memref_squeeze %dma_wait3A_103 : memref<1x128xi32, #tpu.memory_space<vmem>> -> memref<128xi32, #tpu.memory_space<vmem>>
    %dma_wait3A_105 = arith.constant 0 : i32
    %dma_wait3A_106 = arith.constant 0 : i32
    %dma_wait3A_107 = tpu.memref_slice %arg2[%dma_wait3A_105, %dma_wait3A_106] : memref<100000x128xf32, #tpu.memory_space<hbm>> -> memref<100000x128xf32, #tpu.memory_space<hbm>>
    tpu.wait_indirect_dma semaphore(%arg16 : memref<!tpu.dma_semaphore, #tpu.memory_space<semaphore_mem>>) src(%dma_wait3A_107 : memref<100000x128xf32, #tpu.memory_space<hbm>>) dst(%dma_wait3A_101 : memref<128x128xf32, #tpu.memory_space<vmem>>)
    %dma_wait3A_108 = arith.constant 1 : i32
    %dma_wait3A_109 = arith.constant 128 : i32
    %dma_wait3A_110 = tpu.memref_slice %arg12[%dma_wait3A_109] : memref<512xf32, #tpu.memory_space<vmem>> -> memref<128xf32, #tpu.memory_space<vmem>>
    %dma_wait3A_111 = arith.constant 0 : i32
    %dma_wait3A_112 = tpu.memref_slice %arg10[%dma_wait3A_108, %dma_wait3A_111] : memref<4x128xi32, #tpu.memory_space<vmem>> -> memref<1x128xi32, #tpu.memory_space<vmem>>
    %dma_wait3A_113 = tpu.memref_squeeze %dma_wait3A_112 : memref<1x128xi32, #tpu.memory_space<vmem>> -> memref<128xi32, #tpu.memory_space<vmem>>
    %dma_wait3A_114 = arith.constant 0 : i32
    %dma_wait3A_115 = tpu.memref_slice %arg3[%dma_wait3A_114] : memref<100000xf32, #tpu.memory_space<hbm>> -> memref<100000xf32, #tpu.memory_space<hbm>>
    tpu.wait_indirect_dma semaphore(%arg16 : memref<!tpu.dma_semaphore, #tpu.memory_space<semaphore_mem>>) src(%dma_wait3A_115 : memref<100000xf32, #tpu.memory_space<hbm>>) dst(%dma_wait3A_110 : memref<128xf32, #tpu.memory_space<vmem>>)
    %dma_wait3A_116 = arith.constant 2 : i32
    %dma_wait3A_117 = arith.constant 256 : i32
    %dma_wait3A_118 = arith.constant 0 : i32
    %dma_wait3A_119 = tpu.memref_slice %arg11[%dma_wait3A_117, %dma_wait3A_118] : memref<512x128xf32, #tpu.memory_space<vmem>> -> memref<128x128xf32, #tpu.memory_space<vmem>>
    %dma_wait3A_120 = arith.constant 0 : i32
    %dma_wait3A_121 = tpu.memref_slice %arg10[%dma_wait3A_116, %dma_wait3A_120] : memref<4x128xi32, #tpu.memory_space<vmem>> -> memref<1x128xi32, #tpu.memory_space<vmem>>
    %dma_wait3A_122 = tpu.memref_squeeze %dma_wait3A_121 : memref<1x128xi32, #tpu.memory_space<vmem>> -> memref<128xi32, #tpu.memory_space<vmem>>
    %dma_wait3A_123 = arith.constant 0 : i32
    %dma_wait3A_124 = arith.constant 0 : i32
    %dma_wait3A_125 = tpu.memref_slice %arg2[%dma_wait3A_123, %dma_wait3A_124] : memref<100000x128xf32, #tpu.memory_space<hbm>> -> memref<100000x128xf32, #tpu.memory_space<hbm>>
    tpu.wait_indirect_dma semaphore(%arg16 : memref<!tpu.dma_semaphore, #tpu.memory_space<semaphore_mem>>) src(%dma_wait3A_125 : memref<100000x128xf32, #tpu.memory_space<hbm>>) dst(%dma_wait3A_119 : memref<128x128xf32, #tpu.memory_space<vmem>>)
    %dma_wait3A_126 = arith.constant 2 : i32
    %dma_wait3A_127 = arith.constant 256 : i32
    %dma_wait3A_128 = tpu.memref_slice %arg12[%dma_wait3A_127] : memref<512xf32, #tpu.memory_space<vmem>> -> memref<128xf32, #tpu.memory_space<vmem>>
    %dma_wait3A_129 = arith.constant 0 : i32
    %dma_wait3A_130 = tpu.memref_slice %arg10[%dma_wait3A_126, %dma_wait3A_129] : memref<4x128xi32, #tpu.memory_space<vmem>> -> memref<1x128xi32, #tpu.memory_space<vmem>>
    %dma_wait3A_131 = tpu.memref_squeeze %dma_wait3A_130 : memref<1x128xi32, #tpu.memory_space<vmem>> -> memref<128xi32, #tpu.memory_space<vmem>>
    %dma_wait3A_132 = arith.constant 0 : i32
    %dma_wait3A_133 = tpu.memref_slice %arg3[%dma_wait3A_132] : memref<100000xf32, #tpu.memory_space<hbm>> -> memref<100000xf32, #tpu.memory_space<hbm>>
    tpu.wait_indirect_dma semaphore(%arg16 : memref<!tpu.dma_semaphore, #tpu.memory_space<semaphore_mem>>) src(%dma_wait3A_133 : memref<100000xf32, #tpu.memory_space<hbm>>) dst(%dma_wait3A_128 : memref<128xf32, #tpu.memory_space<vmem>>)
    %dma_wait3A_134 = arith.constant 3 : i32
    %dma_wait3A_135 = arith.constant 384 : i32
    %dma_wait3A_136 = arith.constant 0 : i32
    %dma_wait3A_137 = tpu.memref_slice %arg11[%dma_wait3A_135, %dma_wait3A_136] : memref<512x128xf32, #tpu.memory_space<vmem>> -> memref<128x128xf32, #tpu.memory_space<vmem>>
    %dma_wait3A_138 = arith.constant 0 : i32
    %dma_wait3A_139 = tpu.memref_slice %arg10[%dma_wait3A_134, %dma_wait3A_138] : memref<4x128xi32, #tpu.memory_space<vmem>> -> memref<1x128xi32, #tpu.memory_space<vmem>>
    %dma_wait3A_140 = tpu.memref_squeeze %dma_wait3A_139 : memref<1x128xi32, #tpu.memory_space<vmem>> -> memref<128xi32, #tpu.memory_space<vmem>>
    %dma_wait3A_141 = arith.constant 0 : i32
    %dma_wait3A_142 = arith.constant 0 : i32
    %dma_wait3A_143 = tpu.memref_slice %arg2[%dma_wait3A_141, %dma_wait3A_142] : memref<100000x128xf32, #tpu.memory_space<hbm>> -> memref<100000x128xf32, #tpu.memory_space<hbm>>
    tpu.wait_indirect_dma semaphore(%arg16 : memref<!tpu.dma_semaphore, #tpu.memory_space<semaphore_mem>>) src(%dma_wait3A_143 : memref<100000x128xf32, #tpu.memory_space<hbm>>) dst(%dma_wait3A_137 : memref<128x128xf32, #tpu.memory_space<vmem>>)
    %dma_wait3A_144 = arith.constant 3 : i32
    %dma_wait3A_145 = arith.constant 384 : i32
    %dma_wait3A_146 = tpu.memref_slice %arg12[%dma_wait3A_145] : memref<512xf32, #tpu.memory_space<vmem>> -> memref<128xf32, #tpu.memory_space<vmem>>
    %dma_wait3A_147 = arith.constant 0 : i32
    %dma_wait3A_148 = tpu.memref_slice %arg10[%dma_wait3A_144, %dma_wait3A_147] : memref<4x128xi32, #tpu.memory_space<vmem>> -> memref<1x128xi32, #tpu.memory_space<vmem>>
    %dma_wait3A_149 = tpu.memref_squeeze %dma_wait3A_148 : memref<1x128xi32, #tpu.memory_space<vmem>> -> memref<128xi32, #tpu.memory_space<vmem>>
    %dma_wait3A_150 = arith.constant 0 : i32
    %dma_wait3A_151 = tpu.memref_slice %arg3[%dma_wait3A_150] : memref<100000xf32, #tpu.memory_space<hbm>> -> memref<100000xf32, #tpu.memory_space<hbm>>
    tpu.wait_indirect_dma semaphore(%arg16 : memref<!tpu.dma_semaphore, #tpu.memory_space<semaphore_mem>>) src(%dma_wait3A_151 : memref<100000xf32, #tpu.memory_space<hbm>>) dst(%dma_wait3A_146 : memref<128xf32, #tpu.memory_space<vmem>>)
    %dma_wait3A_152 = arith.constant 0 : i32
    %dma_wait3A_153 = arith.constant 0 : i32
    %dma_wait3A_154 = tpu.memref_slice %arg2[%dma_wait3A_152, %dma_wait3A_153] : memref<100000x128xf32, #tpu.memory_space<hbm>> -> memref<100000x128xf32, #tpu.memory_space<hbm>>
    tpu.wait_indirect_dma semaphore(%arg16 : memref<!tpu.dma_semaphore, #tpu.memory_space<semaphore_mem>>) src(%dma_wait3A_154 : memref<100000x128xf32, #tpu.memory_space<hbm>>) dst(%arg14 : memref<32x128xf32, #tpu.memory_space<vmem>>)
    %dma_wait3A_155 = arith.constant 0 : i32
    %dma_wait3A_156 = tpu.memref_slice %arg3[%dma_wait3A_155] : memref<100000xf32, #tpu.memory_space<hbm>> -> memref<100000xf32, #tpu.memory_space<hbm>>
    tpu.wait_indirect_dma semaphore(%arg16 : memref<!tpu.dma_semaphore, #tpu.memory_space<semaphore_mem>>) src(%dma_wait3A_156 : memref<100000xf32, #tpu.memory_space<hbm>>) dst(%arg15 : memref<32xf32, #tpu.memory_space<vmem>>)
    "tpu.region"() ({
      %run_scoped3A = tpu.sem_alloc : memref<!tpu.dma_semaphore, #tpu.memory_space<semaphore_mem>>
      %dma_start3A_157 = arith.constant 0 : i32
      %dma_start3A_158 = tpu.memref_slice %arg6[%mul3A_2, %dma_start3A_157] : memref<16384x128xf32, #tpu.memory_space<hbm>> -> memref<512x128xf32, #tpu.memory_space<hbm>>
      %dma_start3A_159 = arith.constant 0 : i32
      %dma_start3A_160 = tpu.memref_slice %arg6[%mul3A_2, %dma_start3A_159] : memref<16384x128xf32, #tpu.memory_space<hbm>> -> memref<512x128xf32, #tpu.memory_space<hbm>>
      tpu.enqueue_dma source(%arg11 : memref<512x128xf32, #tpu.memory_space<vmem>>) target(%dma_start3A_160 : memref<512x128xf32, #tpu.memory_space<hbm>>) target_semaphore(%run_scoped3A : memref<!tpu.dma_semaphore, #tpu.memory_space<semaphore_mem>>)
      %dma_wait3A_161 = arith.constant 0 : i32
      %dma_wait3A_162 = tpu.memref_slice %arg6[%mul3A_2, %dma_wait3A_161] : memref<16384x128xf32, #tpu.memory_space<hbm>> -> memref<512x128xf32, #tpu.memory_space<hbm>>
      %dma_wait3A_163 = arith.constant 0 : i32
      %dma_wait3A_164 = tpu.memref_slice %arg6[%mul3A_2, %dma_wait3A_163] : memref<16384x128xf32, #tpu.memory_space<hbm>> -> memref<512x128xf32, #tpu.memory_space<hbm>>
      tpu.wait_dma2 semaphore(%run_scoped3A : memref<!tpu.dma_semaphore, #tpu.memory_space<semaphore_mem>>) src(%arg11 : memref<512x128xf32, #tpu.memory_space<vmem>>) dst(%dma_wait3A_164 : memref<512x128xf32, #tpu.memory_space<hbm>>)
      tpu.yield
    }) : () -> ()
    "tpu.region"() ({
      %run_scoped3A = tpu.sem_alloc : memref<!tpu.dma_semaphore, #tpu.memory_space<semaphore_mem>>
      %dma_start3A_157 = tpu.memref_slice %arg7[%mul3A_2] : memref<16384xf32, #tpu.memory_space<hbm>> -> memref<512xf32, #tpu.memory_space<hbm>>
      %dma_start3A_158 = tpu.memref_slice %arg7[%mul3A_2] : memref<16384xf32, #tpu.memory_space<hbm>> -> memref<512xf32, #tpu.memory_space<hbm>>
      tpu.enqueue_dma source(%arg12 : memref<512xf32, #tpu.memory_space<vmem>>) target(%dma_start3A_158 : memref<512xf32, #tpu.memory_space<hbm>>) target_semaphore(%run_scoped3A : memref<!tpu.dma_semaphore, #tpu.memory_space<semaphore_mem>>)
      %dma_wait3A_159 = tpu.memref_slice %arg7[%mul3A_2] : memref<16384xf32, #tpu.memory_space<hbm>> -> memref<512xf32, #tpu.memory_space<hbm>>
      %dma_wait3A_160 = tpu.memref_slice %arg7[%mul3A_2] : memref<16384xf32, #tpu.memory_space<hbm>> -> memref<512xf32, #tpu.memory_space<hbm>>
      tpu.wait_dma2 semaphore(%run_scoped3A : memref<!tpu.dma_semaphore, #tpu.memory_space<semaphore_mem>>) src(%arg12 : memref<512xf32, #tpu.memory_space<vmem>>) dst(%dma_wait3A_160 : memref<512xf32, #tpu.memory_space<hbm>>)
      tpu.yield
    }) : () -> ()
    "tpu.region"() ({
      %run_scoped3A = tpu.sem_alloc : memref<!tpu.dma_semaphore, #tpu.memory_space<semaphore_mem>>
      %dma_start3A_157 = arith.constant 0 : i32
      %dma_start3A_158 = tpu.memref_slice %arg8[%mul3A_4, %dma_start3A_157] : memref<1024x128xf32, #tpu.memory_space<hbm>> -> memref<32x128xf32, #tpu.memory_space<hbm>>
      %dma_start3A_159 = arith.constant 0 : i32
      %dma_start3A_160 = tpu.memref_slice %arg8[%mul3A_4, %dma_start3A_159] : memref<1024x128xf32, #tpu.memory_space<hbm>> -> memref<32x128xf32, #tpu.memory_space<hbm>>
      tpu.enqueue_dma source(%arg14 : memref<32x128xf32, #tpu.memory_space<vmem>>) target(%dma_start3A_160 : memref<32x128xf32, #tpu.memory_space<hbm>>) target_semaphore(%run_scoped3A : memref<!tpu.dma_semaphore, #tpu.memory_space<semaphore_mem>>)
      %dma_wait3A_161 = arith.constant 0 : i32
      %dma_wait3A_162 = tpu.memref_slice %arg8[%mul3A_4, %dma_wait3A_161] : memref<1024x128xf32, #tpu.memory_space<hbm>> -> memref<32x128xf32, #tpu.memory_space<hbm>>
      %dma_wait3A_163 = arith.constant 0 : i32
      %dma_wait3A_164 = tpu.memref_slice %arg8[%mul3A_4, %dma_wait3A_163] : memref<1024x128xf32, #tpu.memory_space<hbm>> -> memref<32x128xf32, #tpu.memory_space<hbm>>
      tpu.wait_dma2 semaphore(%run_scoped3A : memref<!tpu.dma_semaphore, #tpu.memory_space<semaphore_mem>>) src(%arg14 : memref<32x128xf32, #tpu.memory_space<vmem>>) dst(%dma_wait3A_164 : memref<32x128xf32, #tpu.memory_space<hbm>>)
      tpu.yield
    }) : () -> ()
    "tpu.region"() ({
      %run_scoped3A = tpu.sem_alloc : memref<!tpu.dma_semaphore, #tpu.memory_space<semaphore_mem>>
      %dma_start3A_157 = tpu.memref_slice %arg9[%mul3A_4] : memref<1024xf32, #tpu.memory_space<hbm>> -> memref<32xf32, #tpu.memory_space<hbm>>
      %dma_start3A_158 = tpu.memref_slice %arg9[%mul3A_4] : memref<1024xf32, #tpu.memory_space<hbm>> -> memref<32xf32, #tpu.memory_space<hbm>>
      tpu.enqueue_dma source(%arg15 : memref<32xf32, #tpu.memory_space<vmem>>) target(%dma_start3A_158 : memref<32xf32, #tpu.memory_space<hbm>>) target_semaphore(%run_scoped3A : memref<!tpu.dma_semaphore, #tpu.memory_space<semaphore_mem>>)
      %dma_wait3A_159 = tpu.memref_slice %arg9[%mul3A_4] : memref<1024xf32, #tpu.memory_space<hbm>> -> memref<32xf32, #tpu.memory_space<hbm>>
      %dma_wait3A_160 = tpu.memref_slice %arg9[%mul3A_4] : memref<1024xf32, #tpu.memory_space<hbm>> -> memref<32xf32, #tpu.memory_space<hbm>>
      tpu.wait_dma2 semaphore(%run_scoped3A : memref<!tpu.dma_semaphore, #tpu.memory_space<semaphore_mem>>) src(%arg15 : memref<32xf32, #tpu.memory_space<vmem>>) dst(%dma_wait3A_160 : memref<32xf32, #tpu.memory_space<hbm>>)
      tpu.yield
    }) : () -> ()
    return
  }
}

module attributes {stable_mosaic.version = 14 : i64} {
  func.func @_repack_body(%arg0: i32, %arg1: memref<64x16384xf32, #tpu.memory_space<vmem>>, %arg2: memref<16384x128xf32, #tpu.memory_space<vmem>>) attributes {dimension_semantics = [#tpu.dimension_semantics<arbitrary>], iteration_bounds = array<i64: 7>, scalar_prefetch = 0 : i64, scratch_operands = 0 : i64, tpu.core_type = #tpu.core_type<tc>, window_params = [{transform_indices = @transform_0, window_bounds = array<i64: 64, 16384>}, {transform_indices = @transform_1, window_bounds = array<i64: 16384, 128>}]} {
    %get3A = arith.constant 0 : index
    %get3A_0 = arith.constant 0 : index
    %get3A_1 = vector.load %arg1[%get3A, %get3A_0] : memref<64x16384xf32, #tpu.memory_space<vmem>>, vector<64x16384xf32>
    %transpose3A = tpu.transpose %get3A_1, [1, 0] : vector<64x16384xf32> -> vector<16384x64xf32>
    %swap3A = arith.constant 0 : index
    %swap3A_2 = arith.constant 0 : index
    %swap3A_3 = vector.load %arg2[%swap3A, %swap3A_2] : memref<16384x128xf32, #tpu.memory_space<vmem>>, vector<16384x64xf32>
    tpu.vector_store %arg2[%swap3A, %swap3A_2], %transpose3A {strides = array<i32>} : memref<16384x128xf32, #tpu.memory_space<vmem>>, vector<16384x64xf32>,
    return
  }
  func.func @transform_0(%arg0: i32) -> (i32, i32) {
    %c0_i32 = arith.constant 0 : i32
    %c0_i32_0 = arith.constant 0 : i32
    return %c0_i32, %arg0 : i32, i32
  }
  func.func @transform_1(%arg0: i32) -> (i32, i32) {
    %c0_i32 = arith.constant 0 : i32
    %c0_i32_0 = arith.constant 0 : i32
    return %arg0, %c0_i32 : i32, i32
  }
}

module attributes {stable_mosaic.version = 14 : i64} {
  func.func @_loss_body(%arg0: i32, %arg1: memref<64x4096xf32, #tpu.memory_space<vmem>>, %arg2: memref<4096x128xf32, #tpu.memory_space<vmem>>, %arg3: memref<4096x1xf32, #tpu.memory_space<vmem>>, %arg4: memref<4096x1xi32, #tpu.memory_space<vmem>>, %arg5: memref<1024x128xf32, #tpu.memory_space<vmem>>, %arg6: memref<1x1024xf32, #tpu.memory_space<vmem>>, %arg7: memref<1x1024xi32, #tpu.memory_space<vmem>>, %arg8: memref<1x1xf32, #tpu.memory_space<vmem>>) attributes {dimension_semantics = [#tpu.dimension_semantics<arbitrary>], iteration_bounds = array<i64: 4>, scalar_prefetch = 0 : i64, scratch_operands = 0 : i64, tpu.core_type = #tpu.core_type<tc>, window_params = [{transform_indices = @transform_0, window_bounds = array<i64: 64, 4096>}, {transform_indices = @transform_1, window_bounds = array<i64: 4096, 128>}, {transform_indices = @transform_2, window_bounds = array<i64: 4096, 1>}, {transform_indices = @transform_3, window_bounds = array<i64: 4096, 1>}, {pipeline_mode = #tpu.pipeline_mode<synchronous>, transform_indices = @transform_4, window_bounds = array<i64: 1024, 128>}, {pipeline_mode = #tpu.pipeline_mode<synchronous>, transform_indices = @transform_5, window_bounds = array<i64: 1, 1024>}, {pipeline_mode = #tpu.pipeline_mode<synchronous>, transform_indices = @transform_6, window_bounds = array<i64: 1, 1024>}, {pipeline_mode = #tpu.pipeline_mode<synchronous>, transform_indices = @transform_7, window_bounds = array<i64: 1, 1>}]} {
    %get3A = arith.constant 0 : index
    %get3A_0 = arith.constant 0 : index
    %get3A_1 = vector.load %arg1[%get3A, %get3A_0] : memref<64x4096xf32, #tpu.memory_space<vmem>>, vector<64x4096xf32>
    %transpose3A = tpu.transpose %get3A_1, [1, 0] : vector<64x4096xf32> -> vector<4096x64xf32>
    %get3A_2 = arith.constant 0 : index
    %get3A_3 = arith.constant 0 : index
    %get3A_4 = vector.load %arg2[%get3A_2, %get3A_3] : memref<4096x128xf32, #tpu.memory_space<vmem>>, vector<4096x64xf32>
    %get3A_5 = arith.constant 0 : index
    %get3A_6 = arith.constant 0 : index
    %get3A_7 = vector.load %arg3[%get3A_5, %get3A_6] : memref<4096x1xf32, #tpu.memory_space<vmem>>, vector<4096x1xf32>
    %get3A_8 = arith.constant 0 : index
    %get3A_9 = arith.constant 0 : index
    %get3A_10 = vector.load %arg4[%get3A_8, %get3A_9] : memref<4096x1xi32, #tpu.memory_space<vmem>>, vector<4096x1xi32>
    %get3A_11 = arith.constant 0 : index
    %get3A_12 = arith.constant 0 : index
    %get3A_13 = vector.load %arg5[%get3A_11, %get3A_12] : memref<1024x128xf32, #tpu.memory_space<vmem>>, vector<1024x64xf32>
    %get3A_14 = arith.constant 0 : index
    %get3A_15 = arith.constant 0 : index
    %get3A_16 = vector.load %arg6[%get3A_14, %get3A_15] : memref<1x1024xf32, #tpu.memory_space<vmem>>, vector<1x1024xf32>
    %get3A_17 = arith.constant 0 : index
    %get3A_18 = arith.constant 0 : index
    %get3A_19 = vector.load %arg7[%get3A_17, %get3A_18] : memref<1x1024xi32, #tpu.memory_space<vmem>>, vector<1x1024xi32>
    %convert_element_type3A = arith.sitofp %get3A_10 : vector<4096x1xi32> to vector<4096x1xf32>
    %add3A = arith.constant 2.000000e+00 : f32
    %add3A_20 = vector.broadcast %add3A : f32 to vector<4096x1xf32>
    %add3A_21 = arith.addf %convert_element_type3A, %add3A_20 : vector<4096x1xf32>
    %add3A_22 = arith.constant 1.000000e+00 : f32
    %add3A_23 = vector.broadcast %add3A_22 : f32 to vector<4096x1xf32>
    %add3A_24 = arith.addf %convert_element_type3A, %add3A_23 : vector<4096x1xf32>
    %div3A = arith.divf %add3A_21, %add3A_24 : vector<4096x1xf32>
    %log3A = math.log %div3A : vector<4096x1xf32>
    %div3A_25 = arith.constant 11.5129356 : f32
    %div3A_26 = vector.broadcast %div3A_25 : f32 to vector<4096x1xf32>
    %div3A_27 = arith.divf %log3A, %div3A_26 : vector<4096x1xf32>
    %sub3A = arith.constant 1.000000e+00 : f32
    %sub3A_28 = vector.broadcast %sub3A : f32 to vector<4096x1xf32>
    %sub3A_29 = arith.subf %sub3A_28, %div3A_27 : vector<4096x1xf32>
    %log3A_30 = math.log %sub3A_29 : vector<4096x1xf32>
    %mul3A = arith.constant 1.024000e+03 : f32
    %mul3A_31 = vector.broadcast %mul3A : f32 to vector<4096x1xf32>
    %mul3A_32 = arith.mulf %mul3A_31, %log3A_30 : vector<4096x1xf32>
    %exp3A = math.exp %mul3A_32 : vector<4096x1xf32>
    %sub3A_33 = arith.constant 1.000000e+00 : f32
    %sub3A_34 = vector.broadcast %sub3A_33 : f32 to vector<4096x1xf32>
    %sub3A_35 = arith.subf %sub3A_34, %exp3A : vector<4096x1xf32>
    %log3A_36 = math.log %sub3A_35 : vector<4096x1xf32>
    %convert_element_type3A_37 = arith.sitofp %get3A_19 : vector<1x1024xi32> to vector<1x1024xf32>
    %add3A_38 = arith.constant 2.000000e+00 : f32
    %add3A_39 = vector.broadcast %add3A_38 : f32 to vector<1x1024xf32>
    %add3A_40 = arith.addf %convert_element_type3A_37, %add3A_39 : vector<1x1024xf32>
    %add3A_41 = arith.constant 1.000000e+00 : f32
    %add3A_42 = vector.broadcast %add3A_41 : f32 to vector<1x1024xf32>
    %add3A_43 = arith.addf %convert_element_type3A_37, %add3A_42 : vector<1x1024xf32>
    %div3A_44 = arith.divf %add3A_40, %add3A_43 : vector<1x1024xf32>
    %log3A_45 = math.log %div3A_44 : vector<1x1024xf32>
    %div3A_46 = arith.constant 11.5129356 : f32
    %div3A_47 = vector.broadcast %div3A_46 : f32 to vector<1x1024xf32>
    %div3A_48 = arith.divf %log3A_45, %div3A_47 : vector<1x1024xf32>
    %sub3A_49 = arith.constant 1.000000e+00 : f32
    %sub3A_50 = vector.broadcast %sub3A_49 : f32 to vector<1x1024xf32>
    %sub3A_51 = arith.subf %sub3A_50, %div3A_48 : vector<1x1024xf32>
    %log3A_52 = math.log %sub3A_51 : vector<1x1024xf32>
    %mul3A_53 = arith.constant 1.024000e+03 : f32
    %mul3A_54 = vector.broadcast %mul3A_53 : f32 to vector<1x1024xf32>
    %mul3A_55 = arith.mulf %mul3A_54, %log3A_52 : vector<1x1024xf32>
    %exp3A_56 = math.exp %mul3A_55 : vector<1x1024xf32>
    %sub3A_57 = arith.constant 1.000000e+00 : f32
    %sub3A_58 = vector.broadcast %sub3A_57 : f32 to vector<1x1024xf32>
    %sub3A_59 = arith.subf %sub3A_58, %exp3A_56 : vector<1x1024xf32>
    %log3A_60 = math.log %sub3A_59 : vector<1x1024xf32>
    %mul3A_61 = arith.mulf %transpose3A, %get3A_4 : vector<4096x64xf32>
    %reduce_sum3A = arith.constant dense<0.000000e+00> : vector<4096xf32>
    %reduce_sum3A_62 = vector.multi_reduction <add>, %mul3A_61, %reduce_sum3A [1] : vector<4096x64xf32> to vector<4096xf32>
    %broadcast_in_dim3A = vector.shape_cast %reduce_sum3A_62 : vector<4096xf32> to vector<4096x1xf32>
    %add3A_63 = arith.addf %broadcast_in_dim3A, %get3A_7 : vector<4096x1xf32>
    %sub3A_64 = arith.subf %add3A_63, %log3A_36 : vector<4096x1xf32>
    %convert_element_type3A_65 = arith.truncf %transpose3A : vector<4096x64xf32> to vector<4096x64xbf16>
    %convert_element_type3A_66 = arith.truncf %get3A_13 : vector<1024x64xf32> to vector<1024x64xbf16>
    %dot_general3A = arith.constant dense<0.000000e+00> : vector<4096x1024xf32>
    %dot_general3A_67 = tpu.matmul %convert_element_type3A_65, %convert_element_type3A_66, %dot_general3A {dimension_numbers = #tpu.dot_dimension_numbers<[1], [1], [0], [0], [0, 0, 1, 0], [], []>, transpose_lhs_hint = false} : vector<4096x64xbf16>, vector<1024x64xbf16>, vector<4096x1024xf32> -> vector<4096x1024xf32>
    %add3A_68 = vector.broadcast %get3A_16 : vector<1x1024xf32> to vector<4096x1024xf32>
    %add3A_69 = arith.addf %dot_general3A_67, %add3A_68 : vector<4096x1024xf32>
    %sub3A_70 = vector.broadcast %log3A_60 : vector<1x1024xf32> to vector<4096x1024xf32>
    %sub3A_71 = arith.subf %add3A_69, %sub3A_70 : vector<4096x1024xf32>
    %eq3A = vector.broadcast %get3A_19 : vector<1x1024xi32> to vector<4096x1024xi32>
    %eq3A_72 = vector.broadcast %get3A_10 : vector<4096x1xi32> to vector<4096x1024xi32>
    %eq3A_73 = arith.cmpi eq, %eq3A, %eq3A_72 : vector<4096x1024xi32>
    %sub3A_74 = arith.constant 1.000000e+09 : f32
    %sub3A_75 = vector.broadcast %sub3A_74 : f32 to vector<4096x1024xf32>
    %sub3A_76 = arith.subf %sub3A_71, %sub3A_75 : vector<4096x1024xf32>
    %select_n3A = arith.select %eq3A_73, %sub3A_76, %sub3A_71 : vector<4096x1024xi1>, vector<4096x1024xf32>
    %exp3A_77 = math.exp %select_n3A : vector<4096x1024xf32>
    %reduce_sum3A_78 = arith.constant dense<0.000000e+00> : vector<4096xf32>
    %reduce_sum3A_79 = vector.multi_reduction <add>, %exp3A_77, %reduce_sum3A_78 [1] : vector<4096x1024xf32> to vector<4096xf32>
    %broadcast_in_dim3A_80 = vector.shape_cast %reduce_sum3A_79 : vector<4096xf32> to vector<4096x1xf32>
    %exp3A_81 = math.exp %sub3A_64 : vector<4096x1xf32>
    %add3A_82 = arith.addf %broadcast_in_dim3A_80, %exp3A_81 : vector<4096x1xf32>
    %log3A_83 = math.log %add3A_82 : vector<4096x1xf32>
    %sub3A_84 = arith.subf %log3A_83, %sub3A_64 : vector<4096x1xf32>
    %reduce_sum3A_85 = vector.shape_cast %sub3A_84 : vector<4096x1xf32> to vector<1x4096x1xf32>
    %reduce_sum3A_86 = arith.constant dense<0.000000e+00> : vector<1xf32>
    %reduce_sum3A_87 = vector.multi_reduction <add>, %reduce_sum3A_85, %reduce_sum3A_86 [1, 2] : vector<1x4096x1xf32> to vector<1xf32>
    %reduce_sum3A_88 = vector.shape_cast %reduce_sum3A_87 : vector<1xf32> to vector<1x1x1xf32>
    %reduce_sum3A_89 = vector.extract %reduce_sum3A_88[0, 0, 0] : f32 from vector<1x1x1xf32>
    %eq3A_90 = arith.constant 0 : i32
    %eq3A_91 = arith.cmpi eq, %arg0, %eq3A_90 : i32
    %convert_element_type3A_92 = arith.extui %eq3A_91 : i1 to i32
    %cond3A = arith.constant 0 : i32
    %cond3A_93 = arith.cmpi ne, %convert_element_type3A_92, %cond3A : i32
    scf.if %cond3A_93 {
      %broadcast_in_dim3A_100 = arith.constant 0.000000e+00 : f32
      %broadcast_in_dim3A_101 = vector.broadcast %broadcast_in_dim3A_100 : f32 to vector<1x1xf32>
      %swap3A_102 = arith.constant 0 : index
      %swap3A_103 = arith.constant 0 : index
      %swap3A_104 = vector.load %arg8[%swap3A_102, %swap3A_103] : memref<1x1xf32, #tpu.memory_space<vmem>>, vector<1x1xf32>
      tpu.vector_store %arg8[%swap3A_102, %swap3A_103], %broadcast_in_dim3A_101 {strides = array<i32>} : memref<1x1xf32, #tpu.memory_space<vmem>>, vector<1x1xf32>,
    } else {
    }
    %get3A_94 = arith.constant 0 : index
    %get3A_95 = arith.constant 0 : index
    %get3A_96 = vector.load %arg8[%get3A_94, %get3A_95] : memref<1x1xf32, #tpu.memory_space<vmem>>, vector<1x1xf32>
    %reshape3A = vector.broadcast %reduce_sum3A_89 : f32 to vector<1x1xf32>
    %add3A_97 = arith.addf %get3A_96, %reshape3A : vector<1x1xf32>
    %swap3A = arith.constant 0 : index
    %swap3A_98 = arith.constant 0 : index
    %swap3A_99 = vector.load %arg8[%swap3A, %swap3A_98] : memref<1x1xf32, #tpu.memory_space<vmem>>, vector<1x1xf32>
    tpu.vector_store %arg8[%swap3A, %swap3A_98], %add3A_97 {strides = array<i32>} : memref<1x1xf32, #tpu.memory_space<vmem>>, vector<1x1xf32>,
    return
  }
  func.func @transform_0(%arg0: i32) -> (i32, i32) {
    %c0_i32 = arith.constant 0 : i32
    %c0_i32_0 = arith.constant 0 : i32
    return %c0_i32, %arg0 : i32, i32
  }
  func.func @transform_1(%arg0: i32) -> (i32, i32) {
    %c0_i32 = arith.constant 0 : i32
    %c0_i32_0 = arith.constant 0 : i32
    return %arg0, %c0_i32 : i32, i32
  }
  func.func @transform_2(%arg0: i32) -> (i32, i32) {
    %c0_i32 = arith.constant 0 : i32
    %c0_i32_0 = arith.constant 0 : i32
    return %arg0, %c0_i32 : i32, i32
  }
  func.func @transform_3(%arg0: i32) -> (i32, i32) {
    %c0_i32 = arith.constant 0 : i32
    %c0_i32_0 = arith.constant 0 : i32
    return %arg0, %c0_i32 : i32, i32
  }
  func.func @transform_4(%arg0: i32) -> (i32, i32) {
    %c0_i32 = arith.constant 0 : i32
    %c0_i32_0 = arith.constant 0 : i32
    %c0_i32_1 = arith.constant 0 : i32
    return %c0_i32, %c0_i32_0 : i32, i32
  }
  func.func @transform_5(%arg0: i32) -> (i32, i32) {
    %c0_i32 = arith.constant 0 : i32
    %c0_i32_0 = arith.constant 0 : i32
    %c0_i32_1 = arith.constant 0 : i32
    return %c0_i32, %c0_i32_0 : i32, i32
  }
  func.func @transform_6(%arg0: i32) -> (i32, i32) {
    %c0_i32 = arith.constant 0 : i32
    %c0_i32_0 = arith.constant 0 : i32
    %c0_i32_1 = arith.constant 0 : i32
    return %c0_i32, %c0_i32_0 : i32, i32
  }
  func.func @transform_7(%arg0: i32) -> (i32, i32) {
    %c0_i32 = arith.constant 0 : i32
    %c0_i32_0 = arith.constant 0 : i32
    %c0_i32_1 = arith.constant 0 : i32
    return %c0_i32, %c0_i32_0 : i32, i32
  }
}

</mosaic_0001>

<sc_bundles>
// kernel: kernel.7.cloned.1.call-start
scs
__scs_entry_jumppad:
0x0: {  	(pc) =	sbr.rel $0x88, $3  }
0x1: {  	(tag) =	ssettag $0x0;
	lr =	simm.s32 $0x1  }
0x2: {  	[smem:$0x3F9D] =	sst lr;
	_ =	strace $0xD0000000  }
0x3: {  	_ = 	snop  }
0x4: {  	_ = 	snop  }
0x5: {  	_ = 	snop  }
0x6: {  	_ = 	snop  }
0x7: {  	_ = 	snop  }
__scs_overlays_trampoline_lowered:
0x8: {  	[smem:$0x3FAC] =	sst s0  }
0x9: {  	[smem:$0x3FAD] =	sst s1  }
0xa: {  	[smem:$0x3FAE] =	sst s2  }
0xb: {  	[smem:$0x3FAF] =	sst s3  }
0xc: {  	[smem:$0x3FB0] =	sst s4  }
0xd: {  	[smem:$0x3FB1] =	sst s5  }
0xe: {  	[smem:$0x3FB2] =	sst s6  }
0xf: {  	[smem:$0x3FB3] =	sst s7  }
0x10: {  	[smem:$0x3FB4] =	sst s8  }
0x11: {  	[smem:$0x3FB5] =	sst s9;
	s0 =	simm.s32 @!p0 $0x0  }
0x12: {  	s1 =	sld [smem:$0x3F9B];
	s0 =	simm.s32 @p0 $0x1  }
0x13: {  	[smem:$0x3FB6] =	sst s0;
	s0 =	simm.s32 @!p1 $0x0  }
0x14: {  	s2 =	sld [smem:$0x3F9A];
	s0 =	simm.s32 @p1 $0x1  }
0x15: {  	[smem:$0x3FB7] =	sst s0;
	s0 =	simm.s32 @!p2 $0x0  }
0x16: {  	s3 =	sld [smem:$0x3FDB];
	s0 =	simm.s32 @p2 $0x1  }
0x17: {  	s4 =	simm.s32 $0x1BF5;
	[smem:$0x3FB9] =	sst s0  }
0x18: {  	s0 =	sld [smem:$0x3F9C];
	_ =	swait.ge [sflag:s4], $0x0  }
0x19: {  	s7 =	sld [smem:$0x3F9D]  }
0x1a: {  	s8 =	sadd.s32 $0xFFFFE003, lr  }
0x1b: {  	s9 =	sadd.s32 $0xFFFFFEF7, lr;
	s5 =	simm.s32 $0xFFFFFFFF;
	p2 =	slt.u32 s8, $0xFFFFF086  }
0x1c: {  	p1 =	slt.u32 s9, $0xF7A;
	s5 =	simm.s32 @!p2 $0x0  }
0x1d: {  	s5 =	simm.s32 @p1 $0x1;
	p0 =	seq.s32 s7, s2  }
0x1e: {  	s7 =	smul.u32 @!p0 $0xF7A, s2;
	p2 =	seq.s32 @!p0 s5, $0x0  }
0x1f: {  	s9 =	smul.u32 $0xF7A, s1;
	s8 =	simm.s32 @!p0 $0x1BF5;
	p2 =	por !p2, p0  }
0x20: {  	[sflag:s8] =	ssyncset.s32 @!p0 $0xFFFFF086;
	s6 =	sadd.s32 @!p0 s3, s7;
	s7 =	simm.s32 @!p0 $0x108  }
0x21: {  	s3 =	sadd.s32 s3, s9;
	s6 =	sadd.s32 @!p0 $0x88, s6;
	s7 =	simm.s32 @p2 $0x1082  }
0x22: {  	[simem:s7], [sflag:s8] =	dma.local @!p0 [hbm:s6], $0xF7A  }
0x23: {  	s9 =	sor.u32 $0xD0000000, s2;
	s6 =	simm.s32 $0x108;
	_ =	swait.ge @!p0 [sflag:s8], $0x0  }
0x24: {  	s3 =	sadd.s32 $0x88, s3;
	s6 =	simm.s32 @!p1 $0x1082;
	[sflag:s4] =	ssyncset.s32 $0xFFFFF086  }
0x25: {  	[simem:s6], [sflag:s4] =	dma.local [hbm:s3], $0xF7A  }
0x26: {  	[smem:$0x3F9D] =	sst s1;
	(tag) =	ssettag s2;
	_ =	strace s9  }
0x27: {  	s1 =	sld [smem:$0x3FAD]  }
0x28: {  	s2 =	sld [smem:$0x3FAE]  }
0x29: {  	s4 =	sld [smem:$0x3FB0]  }
0x2a: {  	p0 =	seq.s32 s5, $0x0;
	s5 =	sld [smem:$0x3FB1]  }
0x2b: {  	s6 =	sld [smem:$0x3FB2]  }
0x2c: {  	s7 =	sld [smem:$0x3FB3]  }
0x2d: {  	s3 =	simm.s32 $0x108;
	s8 =	sld [smem:$0x3FB4]  }
0x2e: {  	s3 =	simm.s32 @!p0 $0x1082;
	s9 =	sld [smem:$0x3FB5]  }
0x2f: {  	lr =	sadd.s32 s0, s3;
	s0 =	sld [smem:$0x3FAC]  }
0x30: {  	s3 =	sld [smem:$0x3FAF]  }
0x31: {  	[smem:$0x3FB8] =	sst s10  }
0x32: {  	s10 =	sld [smem:$0x3FB6];
	_ =	sdelay $0x3  }
0x33: {  	p0 =	seq.s32 s10, $0x1;
	s10 =	sld [smem:$0x3FB8];
	_ =	sdelay $0x3  }
0x34: {  	[smem:$0x3FB8] =	sst s10  }
0x35: {  	s10 =	sld [smem:$0x3FB7];
	_ =	sdelay $0x3  }
0x36: {  	p1 =	seq.s32 s10, $0x1;
	s10 =	sld [smem:$0x3FB8];
	_ =	sdelay $0x3  }
0x37: {  	[smem:$0x3FB8] =	sst s10  }
0x38: {  	s10 =	sld [smem:$0x3FB9]  }
0x39: {  	_ = 	snop;
	(pc) =	sbr.ind lr, $3  }
0x3a: {  	_ = 	snop  }
0x3b: {  	_ = 	snop  }
0x3c: {  	p2 =	seq.s32 s10, $0x1;
	s10 =	sld [smem:$0x3FB8]  }
0x3d: {  	_ =	shalt  }
0x3e: {  	_ =	shalt  }
0x3f: {  	_ =	shalt  }
0x40: {  	_ =	shalt  }
0x41: {  	_ =	shalt  }
0x42: {  	_ =	shalt  }
0x43: {  	_ =	shalt  }
0x44: {  	_ =	shalt  }
0x45: {  	_ =	shalt  }
0x46: {  	_ =	shalt  }
0x47: {  	_ =	shalt  }
0x48: {  	_ =	shalt  }
0x49: {  	_ =	shalt  }
0x4a: {  	_ =	shalt  }
0x4b: {  	_ =	shalt  }
0x4c: {  	_ =	shalt  }
0x4d: {  	_ =	shalt  }
0x4e: {  	_ =	shalt  }
0x4f: {  	_ =	shalt  }
0x50: {  	_ =	shalt  }
0x51: {  	_ =	shalt  }
0x52: {  	_ =	shalt  }
0x53: {  	_ =	shalt  }
0x54: {  	_ =	shalt  }
0x55: {  	_ =	shalt  }
0x56: {  	_ =	shalt  }
0x57: {  	_ =	shalt  }
0x58: {  	_ =	shalt  }
0x59: {  	_ =	shalt  }
0x5a: {  	_ =	shalt  }
0x5b: {  	_ =	shalt  }
0x5c: {  	_ =	shalt  }
0x5d: {  	_ =	shalt  }
0x5e: {  	_ =	shalt  }
0x5f: {  	_ =	shalt  }
0x60: {  	_ =	shalt  }
0x61: {  	_ =	shalt  }
0x62: {  	_ =	shalt  }
0x63: {  	_ =	shalt  }
0x64: {  	_ =	shalt  }
0x65: {  	_ =	shalt  }
0x66: {  	_ =	shalt  }
0x67: {  	_ =	shalt  }
0x68: {  	_ =	shalt  }
0x69: {  	_ =	shalt  }
0x6a: {  	_ =	shalt  }
0x6b: {  	_ =	shalt  }
0x6c: {  	_ =	shalt  }
0x6d: {  	_ =	shalt  }
0x6e: {  	_ =	shalt  }
0x6f: {  	_ =	shalt  }
0x70: {  	_ =	shalt  }
0x71: {  	_ =	shalt  }
0x72: {  	_ =	shalt  }
0x73: {  	_ =	shalt  }
0x74: {  	_ =	shalt  }
0x75: {  	_ =	shalt  }
0x76: {  	_ =	shalt  }
0x77: {  	_ =	shalt  }
0x78: {  	_ =	shalt  }
0x79: {  	_ =	shalt  }
0x7a: {  	_ =	shalt  }
0x7b: {  	_ =	shalt  }
0x7c: {  	_ =	shalt  }
0x7d: {  	_ =	shalt  }
0x7e: {  	_ =	shalt  }
0x7f: {  	_ =	shalt  }
0x80: {  	_ =	shalt  }
0x81: {  	_ =	shalt  }
0x82: {  	_ =	shalt  }
0x83: {  	_ =	shalt  }
0x84: {  	_ =	shalt  }
0x85: {  	_ =	shalt  }
0x86: {  	_ =	shalt  }
0x87: {  	_ =	shalt  }
.Lfunc_end0:
.L_simem_size_0:
called_computation_lowered:
.L_overlay_start_0:
0x88: {  	s2 =	sld [smem:$0x3FD9]  }
0x89: {  	s3 =	sld [smem:$0x3FFE];
	_ =	sdelay $0x1  }
0x8a: {  	s1 =	srdreg.scid  }
0x8b: {  	s0 =	sand.u32 $0x1, s1  }
0x8c: {  	s17 =	sshll.u32 s0, $0xA;
	s2 =	sadd.s32 s3, s2  }
0x8d: {  	s2 =	sadd.s32 s2, s17  }
0x8e: {  	[smem:$0x3FC4] =	sst s2  }
0x8f: {  	_ = 	snop  }
0x90: {  	s2 =	sld [smem:$0x3FC8]  }
0x91: {  	s18 =	sld [smem:$0x3FC6];
	(tm) =	ssettm $0x1  }
0x92: {  	s4 =	sld [smem:$0x3FFB];
	_ =	sdelay $0x3  }
0x93: {  	_ =	strace s4  }
0x94: {  	s4 =	sld [smem:$0x3FFC];
	_ =	sdelay $0x3  }
0x95: {  	_ =	strace s4  }
0x96: {  	s4 =	sld [smem:$0x3FFD];
	_ =	sdelay $0x3  }
0x97: {  	_ =	strace s4  }
0x98: {  	_ =	strace $0x8FFFFFFF  }
0x99: {  	s19 =	sld [smem:$0x3FDB];
	_ =	sdelay $0x1  }
0x9a: {  	s5 =	simm.s32 $_scs_section_size  }
0x9b: {  	s6 =	simm.s32 $_size__tile_overlayer_lowered;
	s7 =	simm.s32 $_tile_overlayer_lowered  }
0x9c: {  	s22 =	simm.s32 $0x1BFF;
	s21 =	sshll.u32 s7, $0x1;
	s4 =	sadd.s32 s5, s19  }
0x9d: {  	s8 =	simm.s32 $0x0;
	s20 =	sshll.u32 s6, $0x1;
	s6 =	sadd.s32 s21, s4  }
0x9e: {  	[timem:s8], [sflag:s22] =	dma.local [hbm:s6], s20  }
0x9f: {  	_ =	swait.ge [sflag:s22], s20  }
0xa0: {  	s5 =	ssub.s32 $0x0, s20;
	[sflag:s22] =	ssyncset.done $0x0  }
0xa1: {  	[sflag:s22] =	ssyncadd.s32 s5;
	_ =	sdelay $0x1  }
0xa2: {  	s23 =	simm.s32 $0x1B8B  }
0xa3: {  	_ =	swait.ge [sflag:s23], $0x1  }
0xa4: {  	[sflag:s23] =	ssyncset.done $0x0  }
0xa5: {  	s25 =	simm.s32 $0x1B8E;
	s24 =	sld [smem:$0x3FFE];
	[sflag:s23] =	ssyncadd.s32 $0xFFFFFFFF  }
0xa6: {  	s26 =	simm.s32 $execute0_lowered;
	[smem:$0x3FD2] =	sst s25  }
0xa7: {  	s6 =	sshll.u32 s26, $0x1;
	_ =	strace $0x80000046;
	[dreg:$0x1] =	wrdreg $0xFFFFFFFF  }
0xa8: {  	s28 =	simm.s32 $_size_execute0_lowered;
	s4 =	sadd.s32 s4, s6;
	[dreg:$0x0] =	wrdreg $0x0  }
0xa9: {  	s6 =	sshll.u32 s28, $0x1;
	[dreg:$0x2] =	wrdreg s4  }
0xaa: {  	[dreg:$0x3] =	wrdreg s6  }
0xab: {  	[dreg:$0x4] =	wrdreg $0xC0  }
0xac: {  	_ =	task [dreg:s8], $0x5FFFF  }
0xad: {  	[dreg:$0x1] =	wrdreg $0xFFFFFFFF  }
0xae: {  	[dreg:$0x0] =	wrdreg $0x60  }
0xaf: {  	[dreg:$0x2] =	wrdreg s24  }
0xb0: {  	[dreg:$0x3] =	wrdreg s18  }
0xb1: {  	[dreg:$0x4] =	wrdreg s2  }
0xb2: {  	[dreg:$0x5] =	wrdreg $0x9  }
0xb3: {  	_ =	task.clear_ibuf [dreg:s8], $0x6FFFF;
	_ =	strace $0x90000046  }
0xb4: {  	s29 =	simm.s32 $0x9;
	_ =	strace $0x80000048  }
0xb5: {  	_ =	swait.ge [sflag:s29], $0x1  }
0xb6: {  	[sflag:s29] =	ssyncadd.s32 $0xFFFFFFFF  }
0xb7: {  	_ =	strace $0x90000048  }
0xb8: {  	_ =	sfence  }
0xb9: {  	s30 =	sld [smem:$0x0];
	_ =	sdelay $0x2  }
0xba: {  	s31 =	sshll.u32 s1, $0xD;
	s1 =	sshrl.u32 s1, $0x2  }
0xbb: {  	s3 =	sand.u32 $0x4000, s31;
	s1 =	sadd.s32 s1, s30  }
0xbc: {  	s0 =	sor.u32 s3, s0;
	s1 =	sshll.u32 s1, $0x11  }
0xbd: {  	s0 =	sor.u32 s1, s0  }
0xbe: {  	s0 =	sadd.s32 $0x8F2B, s0  }
0xbf: {  	[sflag:s0] =	ssyncadd.remote.s32 $0x1  }
0xc0: {  	_ =	sfence.sel $0xFFFF  }
0xc1: {  	[dreg:$0x0] =	wrdreg $0xFFFFFFFF;
	(pc) =	sbr.abs _section_cstart, $3  }
0xc2: {  	[dreg:$0x1] =	wrdreg $0xFFFFFFFF  }
0xc3: {  	_ =	task.clear_ibuf [dreg:s8], $0x2FFFF;
	_ =	strace $0x9FFFFFFF  }
0xc4: {  	(tm) =	ssettm $0x7FFFFFFF  }
0xc5: {  	_ =	shalt  }
tec
execute0_lowered:
.L_overlay_start_1:
0x0: {  	(tag) =	ssettag $0x1  }
0x1: {  	s28 =	rddreg [dreg:$0x0]  }
0x2: {  	s2 =	rddreg [dreg:$0x1]  }
0x3: {  	s1 =	srdreg.scid;
	s0 =	stileid.u32  }
0x4: {  	s4 =	rddreg [dreg:$0x2];
	s26 =	sand.u32 $0x1, s1;
	s5 =	sshll.u32 s0, $0x1  }
0x5: {  	s3 =	simm.s32 $0x0;
	s1 =	rddreg [dreg:$0x3];
	s29 =	sor.u32 s26, s5  }
0x6: {  	[smem:$0x7FF] =	sst s3;
	s25 =	sshll.u32 s29, $0x6  }
0x7: {  	_ =	strace $0x80000047;
	s5 =	sadd.s32 s4, s25;
	s4 =	simm.s32 $0x2  }
0x8: {  	[tilespmem:s3], [sflag:$0x2] =	stream.linear.gather [hbm4b:s5+s3], $0x200, $0x38;
	[tilespmem:$0x11500] =	vst v63  }
0x9: {  	s6 =	sshll.u32 s29, $0x4;
	_ =	swait.ge [sflag:s4], $0x200  }
0xa: {  	s6 =	sadd.s32 s6, s28;
	[sflag:s4] =	ssyncset.done $0x0  }
0xb: {  	s7 =	simm.s32 $0x10400;
	s6 =	sadd.s32 $0x1200, s6;
	[sflag:s4] =	ssyncadd.s32 $0xFFFFFE00  }
0xc: {  	[tilespmem:s7], [sflag:$0x2] =	stream.linear.gather [hbm4b:s6+s3], $0x80, $0x38;
	[tilespmem:$0x11500] =	vst v63  }
0xd: {  	_ =	swait.ge [sflag:s4], $0x80  }
0xe: {  	s9 =	simm.s32 $0x80;
	[sflag:s4] =	ssyncset.done $0x0  }
0xf: {  	s10 =	simm.s32 $0x200;
	s8 =	sadd.s32 $0x1400, s28;
	[sflag:s4] =	ssyncadd.s32 $0xFFFFFF80  }
0x10: {  	[tilespmem:s10], [sflag:$0x1] =	stream.indirect.gather [hbm4b:s8+s9], $0x80, s3, s9, $0xb8;
	[tilespmem:$0x11500] =	vst v63  }
0x11: {  	s11 =	simm.s32 $0x10200  }
0x12: {  	[tilespmem:s11], [sflag:$0x1] =	stream.indirect.gather [hbm4b:s2+s9], $0x1, s3, s9, $0xb8;
	[tilespmem:$0x11500] =	vst v63  }
0x13: {  	s12 =	simm.s32 $0x4200  }
0x14: {  	[tilespmem:s12], [sflag:$0x1] =	stream.indirect.gather [hbm4b:s8+s9], $0x80, s9, s9, $0xb8;
	[tilespmem:$0x11500] =	vst v63  }
0x15: {  	s13 =	simm.s32 $0x10280  }
0x16: {  	[tilespmem:s13], [sflag:$0x1] =	stream.indirect.gather [hbm4b:s2+s9], $0x1, s9, s9, $0xb8;
	[tilespmem:$0x11500] =	vst v63  }
0x17: {  	s14 =	simm.s32 $0x100;
	s15 =	simm.s32 $0x8200  }
0x18: {  	[tilespmem:s15], [sflag:$0x1] =	stream.indirect.gather [hbm4b:s8+s9], $0x80, s14, s9, $0xb8;
	[tilespmem:$0x11500] =	vst v63  }
0x19: {  	s16 =	simm.s32 $0x10300  }
0x1a: {  	[tilespmem:s16], [sflag:$0x1] =	stream.indirect.gather [hbm4b:s2+s9], $0x1, s14, s9, $0xb8;
	[tilespmem:$0x11500] =	vst v63  }
0x1b: {  	s17 =	simm.s32 $0x180;
	s18 =	simm.s32 $0xC200  }
0x1c: {  	[tilespmem:s18], [sflag:$0x1] =	stream.indirect.gather [hbm4b:s8+s9], $0x80, s17, s9, $0xb8;
	[tilespmem:$0x11500] =	vst v63  }
0x1d: {  	s19 =	simm.s32 $0x10380  }
0x1e: {  	[tilespmem:s19], [sflag:$0x1] =	stream.indirect.gather [hbm4b:s2+s9], $0x1, s17, s9, $0xb8;
	[tilespmem:$0x11500] =	vst v63  }
0x1f: {  	s20 =	simm.s32 $0x20;
	s21 =	simm.s32 $0x10480  }
0x20: {  	[tilespmem:s21], [sflag:$0x1] =	stream.indirect.gather [hbm4b:s8+s20], $0x80, s7, s20, $0xb8;
	[tilespmem:$0x11500] =	vst v63  }
0x21: {  	s22 =	simm.s32 $0x11480;
	s23 =	simm.s32 $0x1  }
0x22: {  	[tilespmem:s22], [sflag:$0x1] =	stream.indirect.gather [hbm4b:s2+s20], $0x1, s7, s20, $0xb8;
	[tilespmem:$0x11500] =	vst v63  }
0x23: {  	_ =	swait.ge [sflag:s23], $0x4000  }
0x24: {  	[sflag:s23] =	ssyncset.done $0x0  }
0x25: {  	[sflag:s23] =	ssyncadd.s32 $0xFFFFC000  }
0x26: {  	_ =	swait.ge [sflag:s23], $0x80  }
0x27: {  	[sflag:s23] =	ssyncset.done $0x0  }
0x28: {  	[sflag:s23] =	ssyncadd.s32 $0xFFFFFF80  }
0x29: {  	_ =	swait.ge [sflag:s23], $0x4000  }
0x2a: {  	[sflag:s23] =	ssyncset.done $0x0  }
0x2b: {  	[sflag:s23] =	ssyncadd.s32 $0xFFFFC000  }
0x2c: {  	_ =	swait.ge [sflag:s23], $0x80  }
0x2d: {  	[sflag:s23] =	ssyncset.done $0x0  }
0x2e: {  	[sflag:s23] =	ssyncadd.s32 $0xFFFFFF80  }
0x2f: {  	_ =	swait.ge [sflag:s23], $0x4000  }
0x30: {  	[sflag:s23] =	ssyncset.done $0x0  }
0x31: {  	[sflag:s23] =	ssyncadd.s32 $0xFFFFC000  }
0x32: {  	_ =	swait.ge [sflag:s23], $0x80  }
0x33: {  	[sflag:s23] =	ssyncset.done $0x0  }
0x34: {  	[sflag:s23] =	ssyncadd.s32 $0xFFFFFF80  }
0x35: {  	_ =	swait.ge [sflag:s23], $0x4000  }
0x36: {  	[sflag:s23] =	ssyncset.done $0x0  }
0x37: {  	[sflag:s23] =	ssyncadd.s32 $0xFFFFC000  }
0x38: {  	_ =	swait.ge [sflag:s23], $0x80  }
0x39: {  	[sflag:s23] =	ssyncset.done $0x0  }
0x3a: {  	[sflag:s23] =	ssyncadd.s32 $0xFFFFFF80  }
0x3b: {  	_ =	swait.ge [sflag:s23], $0x1000  }
0x3c: {  	[sflag:s23] =	ssyncset.done $0x0  }
0x3d: {  	[sflag:s23] =	ssyncadd.s32 $0xFFFFF000  }
0x3e: {  	s24 =	sshll.u32 s29, $0xD;
	_ =	swait.ge [sflag:s23], $0x20  }
0x3f: {  	s24 =	sadd.s32 s24, s28;
	[sflag:s23] =	ssyncset.done $0x0  }
0x40: {  	s24 =	sadd.s32 $0x188600, s24;
	[sflag:s23] =	ssyncadd.s32 $0xFFFFFFE0  }
0x41: {  	[hbm4b:s24+s3] =	stream.linear.scatter [tilespmem:s10], [sflag:$0x2], $0x10000, $0x38;
	[tilespmem:$0x11500] =	vst v63  }
0x42: {  	s31 =	ssub.s32 $0x2, s26;
	s30 =	sshll.u32 s29, $0x9;
	_ =	swait.ge [sflag:s4], $0x10000  }
0x43: {  	s29 =	sshll.u32 s29, $0x2;
	s25 =	sadd.s32 s25, s28;
	[sflag:s4] =	ssyncset.done $0x0  }
0x44: {  	s30 =	sadd.s32 s30, s28;
	s25 =	sadd.s32 $0x187E00, s25;
	[sflag:s4] =	ssyncadd.s32 $0xFFFF0000  }
0x45: {  	[hbm4b:s25+s3] =	stream.linear.scatter [tilespmem:s11], [sflag:$0x2], $0x200, $0x38;
	[tilespmem:$0x11500] =	vst v63  }
0x46: {  	s26 =	sadd.s32 $0x1C8800, s30;
	s30 =	sshrl.u32 s31, $0x1;
	_ =	swait.ge [sflag:s4], $0x200  }
0x47: {  	s28 =	sadd.s32 s29, s28;
	s29 =	ssub.s32 s31, s30;
	[sflag:s4] =	ssyncset.done $0x0  }
0x48: {  	s29 =	smax.u32 s29, $0x1;
	[sflag:s4] =	ssyncadd.s32 $0xFFFFFE00  }
0x49: {  	[hbm4b:s26+s3] =	stream.linear.scatter [tilespmem:s21], [sflag:$0x2], $0x1000, $0x38;
	[tilespmem:$0x11500] =	vst v63  }
0x4a: {  	p0 =	sne.s32 s29, $0x1;
	_ =	swait.ge [sflag:s4], $0x1000  }
.Ltmp0:
0x4b: {  	[sflag:s4] =	ssyncset.done $0x0;
	(pc) =	sbr.rel @!p0 .LBB2_2-.Ltmp0, $4  }
0x4c: {  	s28 =	sadd.s32 $0x1C8600, s28;
	[sflag:s4] =	ssyncadd.s32 $0xFFFFF000  }
0x4d: {  	[hbm4b:s28+s3] =	stream.linear.scatter [tilespmem:s22], [sflag:$0x2], $0x20, $0x38;
	[tilespmem:$0x11500] =	vst v63  }
0x4e: {  	_ =	swait.ge [sflag:s4], $0x20  }
0x4f: {  	s29 =	sadd.s32 $0xFFFFFFFF, s29;
	[sflag:s4] =	ssyncset.done $0x0  }
.LBB2_1:
0x50: {  	p0 =	sne.s32 s29, $0x1;
	s29 =	sadd.s32 $0xFFFFFFFF, s29;
	[sflag:s4] =	ssyncadd.s32 $0xFFFFFFE0  }
0x51: {  	[tilespmem:s3], [sflag:$0x2] =	stream.linear.gather [hbm4b:s5+s3], $0x200, $0x38;
	[tilespmem:$0x11500] =	vst v63  }
0x52: {  	_ =	swait.ge [sflag:s4], $0x200  }
0x53: {  	[sflag:s4] =	ssyncset.done $0x0  }
0x54: {  	[sflag:s4] =	ssyncadd.s32 $0xFFFFFE00  }
0x55: {  	[tilespmem:s7], [sflag:$0x2] =	stream.linear.gather [hbm4b:s6+s3], $0x80, $0x38;
	[tilespmem:$0x11500] =	vst v63  }
0x56: {  	_ =	swait.ge [sflag:s4], $0x80  }
0x57: {  	[sflag:s4] =	ssyncset.done $0x0  }
0x58: {  	[sflag:s4] =	ssyncadd.s32 $0xFFFFFF80  }
0x59: {  	[tilespmem:s10], [sflag:$0x1] =	stream.indirect.gather [hbm4b:s8+s9], $0x80, s3, s9, $0xb8;
	[tilespmem:$0x11500] =	vst v63  }
0x5a: {  	_ = 	snop  }
0x5b: {  	[tilespmem:s11], [sflag:$0x1] =	stream.indirect.gather [hbm4b:s2+s9], $0x1, s3, s9, $0xb8;
	[tilespmem:$0x11500] =	vst v63  }
0x5c: {  	_ = 	snop  }
0x5d: {  	[tilespmem:s12], [sflag:$0x1] =	stream.indirect.gather [hbm4b:s8+s9], $0x80, s9, s9, $0xb8;
	[tilespmem:$0x11500] =	vst v63  }
0x5e: {  	_ = 	snop  }
0x5f: {  	[tilespmem:s13], [sflag:$0x1] =	stream.indirect.gather [hbm4b:s2+s9], $0x1, s9, s9, $0xb8;
	[tilespmem:$0x11500] =	vst v63  }
0x60: {  	_ = 	snop  }
0x61: {  	[tilespmem:s15], [sflag:$0x1] =	stream.indirect.gather [hbm4b:s8+s9], $0x80, s14, s9, $0xb8;
	[tilespmem:$0x11500] =	vst v63  }
0x62: {  	_ = 	snop  }
0x63: {  	[tilespmem:s16], [sflag:$0x1] =	stream.indirect.gather [hbm4b:s2+s9], $0x1, s14, s9, $0xb8;
	[tilespmem:$0x11500] =	vst v63  }
0x64: {  	_ = 	snop  }
0x65: {  	[tilespmem:s18], [sflag:$0x1] =	stream.indirect.gather [hbm4b:s8+s9], $0x80, s17, s9, $0xb8;
	[tilespmem:$0x11500] =	vst v63  }
0x66: {  	_ = 	snop  }
0x67: {  	[tilespmem:s19], [sflag:$0x1] =	stream.indirect.gather [hbm4b:s2+s9], $0x1, s17, s9, $0xb8;
	[tilespmem:$0x11500] =	vst v63  }
0x68: {  	_ = 	snop  }
0x69: {  	[tilespmem:s21], [sflag:$0x1] =	stream.indirect.gather [hbm4b:s8+s20], $0x80, s7, s20, $0xb8;
	[tilespmem:$0x11500] =	vst v63  }
0x6a: {  	_ = 	snop  }
0x6b: {  	[tilespmem:s22], [sflag:$0x1] =	stream.indirect.gather [hbm4b:s2+s20], $0x1, s7, s20, $0xb8;
	[tilespmem:$0x11500] =	vst v63  }
0x6c: {  	_ =	swait.ge [sflag:s23], $0x4000  }
0x6d: {  	[sflag:s23] =	ssyncset.done $0x0  }
0x6e: {  	[sflag:s23] =	ssyncadd.s32 $0xFFFFC000  }
0x6f: {  	_ =	swait.ge [sflag:s23], $0x80  }
0x70: {  	[sflag:s23] =	ssyncset.done $0x0  }
0x71: {  	[sflag:s23] =	ssyncadd.s32 $0xFFFFFF80  }
0x72: {  	_ =	swait.ge [sflag:s23], $0x4000  }
0x73: {  	[sflag:s23] =	ssyncset.done $0x0  }
0x74: {  	[sflag:s23] =	ssyncadd.s32 $0xFFFFC000  }
0x75: {  	_ =	swait.ge [sflag:s23], $0x80  }
0x76: {  	[sflag:s23] =	ssyncset.done $0x0  }
0x77: {  	[sflag:s23] =	ssyncadd.s32 $0xFFFFFF80  }
0x78: {  	_ =	swait.ge [sflag:s23], $0x4000  }
0x79: {  	[sflag:s23] =	ssyncset.done $0x0  }
0x7a: {  	[sflag:s23] =	ssyncadd.s32 $0xFFFFC000  }
0x7b: {  	_ =	swait.ge [sflag:s23], $0x80  }
0x7c: {  	[sflag:s23] =	ssyncset.done $0x0  }
0x7d: {  	[sflag:s23] =	ssyncadd.s32 $0xFFFFFF80  }
0x7e: {  	_ =	swait.ge [sflag:s23], $0x4000  }
0x7f: {  	[sflag:s23] =	ssyncset.done $0x0  }
0x80: {  	[sflag:s23] =	ssyncadd.s32 $0xFFFFC000  }
0x81: {  	_ =	swait.ge [sflag:s23], $0x80  }
0x82: {  	[sflag:s23] =	ssyncset.done $0x0  }
0x83: {  	[sflag:s23] =	ssyncadd.s32 $0xFFFFFF80  }
0x84: {  	_ =	swait.ge [sflag:s23], $0x1000  }
0x85: {  	[sflag:s23] =	ssyncset.done $0x0  }
0x86: {  	[sflag:s23] =	ssyncadd.s32 $0xFFFFF000  }
0x87: {  	_ =	swait.ge [sflag:s23], $0x20  }
0x88: {  	[sflag:s23] =	ssyncset.done $0x0  }
0x89: {  	[sflag:s23] =	ssyncadd.s32 $0xFFFFFFE0  }
0x8a: {  	[hbm4b:s24+s3] =	stream.linear.scatter [tilespmem:s10], [sflag:$0x2], $0x10000, $0x38;
	[tilespmem:$0x11500] =	vst v63  }
0x8b: {  	_ =	swait.ge [sflag:s4], $0x10000  }
0x8c: {  	[sflag:s4] =	ssyncset.done $0x0  }
0x8d: {  	[sflag:s4] =	ssyncadd.s32 $0xFFFF0000  }
0x8e: {  	[hbm4b:s25+s3] =	stream.linear.scatter [tilespmem:s11], [sflag:$0x2], $0x200, $0x38;
	[tilespmem:$0x11500] =	vst v63  }
0x8f: {  	_ =	swait.ge [sflag:s4], $0x200  }
0x90: {  	[sflag:s4] =	ssyncset.done $0x0  }
0x91: {  	[sflag:s4] =	ssyncadd.s32 $0xFFFFFE00  }
0x92: {  	[hbm4b:s26+s3] =	stream.linear.scatter [tilespmem:s21], [sflag:$0x2], $0x1000, $0x38;
	[tilespmem:$0x11500] =	vst v63  }
0x93: {  	_ =	swait.ge [sflag:s4], $0x1000  }
.Ltmp1:
0x94: {  	[sflag:s4] =	ssyncset.done $0x0;
	(pc) =	sbr.rel @p0 .LBB2_1-.Ltmp1, $4  }
0x95: {  	[sflag:s4] =	ssyncadd.s32 $0xFFFFF000  }
0x96: {  	[hbm4b:s28+s3] =	stream.linear.scatter [tilespmem:s22], [sflag:$0x2], $0x20, $0x38;
	[tilespmem:$0x11500] =	vst v63  }
0x97: {  	_ =	swait.ge [sflag:s4], $0x20  }
0x98: {  	[sflag:s4] =	ssyncset.done $0x0  }
.LBB2_2:
0x99: {  	[sflag:s4] =	ssyncadd.s32 $0xFFFFFFE0  }
0x9a: {  	_ =	sfence.sel $0x180000  }
0x9b: {  	[bflag:$0x0] =	sbarrier.arrive $0xFFFF  }
0x9c: {  	p0 =	sne.s32 s0, $0x0;
	_ =	strace $0x90000047  }
0x9d: {  	s0 =	sadd.s32 @!p0 $0x100000, s1;
	[bflag:$0x2] =	sbarrier.arrive $0xFFFF  }
0x9e: {  	[sflag:s0] =	ssyncadd.tile.s32 @!p0 $0x1;
	_ =	shalt  }
.Lfunc_end2:
_tile_overlayer_lowered:
.L_overlay_start_2:
0x9f: {  	(tag) =	ssettag $0x2  }
0xa0: {  	s0 =	rddreg [dreg:$0x0];
	s2 =	stileid.u32  }
0xa1: {  	s1 =	rddreg [dreg:$0x1];
	p0 =	sne.s32 s2, $0x0  }
0xa2: {  	s3 =	rddreg [dreg:$0x2];
	[bflag:$0x3] =	sbarrier.arrive $0xFFFF;
	s2 =	simm.s32 @!p0 $0x1C02  }
0xa3: {  	[timem:s3], [sflag:s2] =	dma.local @!p0 [hbm:s0], s1  }
0xa4: {  	s0 =	simm.s32 @!p0 $0x2  }
0xa5: {  	_ =	swait.ge @!p0 [sflag:s0], s1  }
0xa6: {  	s1 =	ssub.s32 @!p0 $0x0, s1;
	[sflag:s0] =	ssyncset.done @!p0 $0x0  }
0xa7: {  	[sflag:s0] =	ssyncadd.s32 @!p0 s1  }
0xa8: {  	[bflag:$0x3] =	sbarrier.arrive $0xFFFF  }
0xa9: {  	_ =	shalt  }

</sc_bundles>
